<compile_context>
chip_gen: v7x
topology: tpu7x:2x2x1
jax: 0.10.2.dev20260603
libtpu: 0.0.44.dev20260713+nightly
codegen_flags: <defaults>
</compile_context>

<pallas_src>
import functools

import jax
import jax.numpy as jnp
from jax import lax
from jax.experimental import pallas as pl
from jax.experimental.pallas import tpu as pltpu
from jax.experimental.pallas import tpu_sc as plsc

N = 10000
D = 128
CHUNK = 1600
LANES = 16
UNROLL = 4
RC_SHIFT = 14


def _matmul_pack_body(x_ref, w_ref, b_ref, adj_ref, hp_ref, rc_ref):
    hid = lax.dot_general(
        w_ref[...], x_ref[...],
        (((1,), (1,)), ((), ())),
        preferred_element_type=jnp.float32,
    ) + b_ref[...]
    top = hid[:D // 2]
    bot = hid[D // 2:]
    tb = lax.bitcast_convert_type(top.astype(jnp.bfloat16), jnp.uint16)
    bb = lax.bitcast_convert_type(bot.astype(jnp.bfloat16), jnp.uint16)
    hp_ref[...] = (bb.astype(jnp.int32) << 16) | tb.astype(jnp.int32)
    rc_ref[...] = (adj_ref[0:1, :] << RC_SHIFT) + adj_ref[1:2, :]


def _add_transpose_body(a_ref, b_ref, e_ref, o_ref):
    o_ref[...] = lax.dot_general(
        a_ref[...] + b_ref[...], e_ref[...],
        (((0,), (0,)), ((), ())),
        preferred_element_type=jnp.float32,
    )


def _sc_body(hp, rc, vals, outT,
             hp0, hp1, hp2, hp3,
             a0, a1, a2, a3, a4, a5, a6, a7,
             kb0, vb0, kb1, vb1, sem0, sem1):
    hps = (hp0, hp1, hp2, hp3)
    accs = (a0, a1, a2, a3, a4, a5, a6, a7)
    bufs = ((kb0, vb0, sem0), (kb1, vb1, sem1))
    core = lax.axis_index("c")
    sub = lax.axis_index("s")

    E = rc.shape[0]
    half = E // 2
    e_base = core * half
    n_chunks = half // CHUNK

    def _issue(k, which):
        kb, vb, sem = bufs[which]
        e0 = e_base + k * CHUNK
        pltpu.async_copy(rc.at[pl.ds(e0, CHUNK)], kb, sem)
        pltpu.async_copy(vals.at[pl.ds(e0, CHUNK)], vb, sem)

    def _drain(which):
        kb, vb, sem = bufs[which]
        pltpu.make_async_copy(rc.at[pl.ds(0, CHUNK)], kb, sem).wait()
        pltpu.make_async_copy(vals.at[pl.ds(0, CHUNK)], vb, sem).wait()

    def _process(which):
        kb, vb, _ = bufs[which]

        @plsc.parallel_loop(0, CHUNK // LANES, unroll=UNROLL)
        def _group_body(i):
            base = i * LANES
            k16 = kb[pl.ds(base, LANES)]
            v16 = vb[pl.ds(base, LANES)]
            c16 = k16 & ((1 << RC_SHIFT) - 1)
            r16 = lax.shift_right_logical(k16, RC_SHIFT)
            for j in range(4):
                g = plsc.load_gather(hps[j], [c16])
                topf = plsc.bitcast(g << 16, jnp.float32)
                botf = plsc.bitcast(g & jnp.int32(-65536), jnp.float32)
                plsc.addupdate_scatter(accs[2 * j], [r16], topf * v16)
                plsc.addupdate_scatter(accs[2 * j + 1], [r16], botf * v16)

    _issue(0, 0)
    _issue(1, 1)

    for j in range(4):
        pltpu.sync_copy(hp.at[4 * sub + j], hps[j])

    zero = jnp.zeros((LANES,), jnp.float32)

    @plsc.parallel_loop(0, N // LANES, unroll=4)
    def _zero_body(i):
        base = i * LANES
        for d in range(8):
            accs[d][pl.ds(base, LANES)] = zero

    def _outer(k, _):
        ca = 2 * k
        for which in range(2):
            c_cur = ca + which
            _drain(which)
            _process(which)

            @pl.when(c_cur + 2 < n_chunks)
            def _():
                _issue(c_cur + 2, which)
        return _

    lax.fori_loop(0, n_chunks // 2, _outer, None)

    for j in range(4):
        pltpu.sync_copy(accs[2 * j], outT.at[core, 4 * sub + j])
        pltpu.sync_copy(accs[2 * j + 1], outT.at[core, D // 2 + 4 * sub + j])


def _make_sc_call():
    mesh = plsc.VectorSubcoreMesh(core_axis_name="c", subcore_axis_name="s")
    return functools.partial(
        pl.kernel,
        mesh=mesh,
        out_type=jax.ShapeDtypeStruct((2, D, N), jnp.float32),
        compiler_params=pltpu.CompilerParams(needs_layout_passes=False),
        scratch_types=(
            [pltpu.VMEM((N,), jnp.int32) for _ in range(4)]
            + [pltpu.VMEM((N,), jnp.float32) for _ in range(8)]
            + [pltpu.VMEM((CHUNK,), jnp.int32),
               pltpu.VMEM((CHUNK,), jnp.float32)] * 2
            + [pltpu.SemaphoreType.DMA, pltpu.SemaphoreType.DMA]
        ),
    )(_sc_body)


def kernel(x, adj_indices, adj_values, W, b):
    n, d_in = x.shape
    d_out = W.shape[0]
    e = adj_values.shape[0]

    hp, rc2 = pl.pallas_call(
        _matmul_pack_body,
        out_shape=(
            jax.ShapeDtypeStruct((d_out // 2, n), jnp.int32),
            jax.ShapeDtypeStruct((1, e), jnp.int32),
        ),
    )(x, W, b[:, None], adj_indices)

    sc_call = _make_sc_call()
    outT2 = sc_call(hp, rc2.reshape(e), adj_values)

    eye = jnp.eye(d_out, dtype=jnp.float32)
    out = pl.pallas_call(
        _add_transpose_body,
        out_shape=jax.ShapeDtypeStruct((n, d_out), jnp.float32),
    )(outT2[0], outT2[1], eye)
    return out

# --- scband reference (transcript-rebuilt; emitter-appended) ---
"""Pipeline reference for scband-gcn-layer-50706383897203 (READ-ONLY COPY).

The authoritative reference and input builder live on the scoring server;
editing this copy changes nothing except your own understanding.
"""

import jax, jax.numpy as jnp
import numpy as np

N = 10000
E = 320000
D_IN = 128
D_OUT = 128


def setup_inputs(seed: int = 0) -> dict:
    key = jax.random.key(seed)
    k0, k1, k2, k3, k4 = jax.random.split(key, 5)
    x = jax.random.normal(k0, (N, D_IN), dtype=jnp.float32)
    # COO sparse adjacency: adj_indices[0]=row (dst), adj_indices[1]=col (src)
    adj_indices = jax.random.randint(k1, (2, E), 0, N, dtype=jnp.int32)
    adj_values = jax.random.uniform(k2, (E,), dtype=jnp.float32)
    # nn.Linear(in_features, out_features): W [out, in], b [out]
    bound = 1.0 / np.sqrt(D_IN)
    W = jax.random.uniform(k3, (D_OUT, D_IN), minval=-bound, maxval=bound, dtype=jnp.float32)
    b = jax.random.uniform(k4, (D_OUT,), minval=-bound, maxval=bound, dtype=jnp.float32)
    return {"x": x, "adj_indices": adj_indices, "adj_values": adj_values, "W": W, "b": b}


def reference(x, adj_indices, adj_values, W, b):
    # hidden = self.linear(x)
    hidden = x @ W.T + b
    # hidden = torch.sparse.mm(adj, hidden)  (COO sparse matmul)
    row = adj_indices[0]
    col = adj_indices[1]
    gathered = jnp.take(hidden, col, axis=0) * adj_values[:, None]
    out = jax.ops.segment_sum(gathered, row, num_segments=N)
    return out

if __name__ == "__main__":
    import jax
    _d = setup_inputs()
    print(jax.jit(kernel)(*tuple(_d.values())))

</pallas_src>

<mosaic_0001>
#map = affine_map<(d0, d1) -> (0, 0)>
#map1 = affine_map<(d0, d1) -> (0)>
#map2 = affine_map<(d0, d1) -> (0, 0, 0)>
module attributes {stable_mosaic.version = 14 : i64} {
  func.func @_sc_body(%arg0: i32, %arg1: i32, %arg2: memref<64x10000xi32, #tpu.memory_space<hbm>>, %arg3: memref<320000xi32, #tpu.memory_space<hbm>>, %arg4: memref<320000xf32, #tpu.memory_space<hbm>>, %arg5: memref<2x128x10000xf32, #tpu.memory_space<hbm>>, %arg6: memref<10000xi32, #tpu.memory_space<vmem>>, %arg7: memref<10000xi32, #tpu.memory_space<vmem>>, %arg8: memref<10000xi32, #tpu.memory_space<vmem>>, %arg9: memref<10000xi32, #tpu.memory_space<vmem>>, %arg10: memref<10000xf32, #tpu.memory_space<vmem>>, %arg11: memref<10000xf32, #tpu.memory_space<vmem>>, %arg12: memref<10000xf32, #tpu.memory_space<vmem>>, %arg13: memref<10000xf32, #tpu.memory_space<vmem>>, %arg14: memref<10000xf32, #tpu.memory_space<vmem>>, %arg15: memref<10000xf32, #tpu.memory_space<vmem>>, %arg16: memref<10000xf32, #tpu.memory_space<vmem>>, %arg17: memref<10000xf32, #tpu.memory_space<vmem>>, %arg18: memref<1600xi32, #tpu.memory_space<vmem>>, %arg19: memref<1600xf32, #tpu.memory_space<vmem>>, %arg20: memref<1600xi32, #tpu.memory_space<vmem>>, %arg21: memref<1600xf32, #tpu.memory_space<vmem>>, %arg22: memref<!tpu.dma_semaphore, #tpu.memory_space<semaphore_mem>>, %arg23: memref<!tpu.dma_semaphore, #tpu.memory_space<semaphore_mem>>) attributes {dimension_semantics = [#tpu.dimension_semantics<core_parallel>, #tpu.dimension_semantics<subcore_parallel>], iteration_bounds = array<i64: 2, 16>, scalar_prefetch = 0 : i64, scratch_operands = 18 : i64, tpu.core_type = #tpu.core_type<sc_vector_subcore>, window_params = [{transform_indices = #map}, {transform_indices = #map1}, {transform_indices = #map1}, {transform_indices = #map2}]} {
    %mul3A = arith.constant 160000 : i32
    %mul3A_0 = arith.muli %arg0, %mul3A : i32
    %add3A = arith.constant 0 : i32
    %add3A_1 = arith.addi %mul3A_0, %add3A : i32
    %dma_start3A = tpu.memref_slice %arg3[%add3A_1] : memref<320000xi32, #tpu.memory_space<hbm>> -> memref<1600xi32, #tpu.memory_space<hbm>>
    %dma_start3A_2 = tpu.memref_slice %arg3[%add3A_1] : memref<320000xi32, #tpu.memory_space<hbm>> -> memref<1600xi32, #tpu.memory_space<hbm>>
    tpu.enqueue_dma source(%dma_start3A_2 : memref<1600xi32, #tpu.memory_space<hbm>>) target(%arg18 : memref<1600xi32, #tpu.memory_space<vmem>>) target_semaphore(%arg22 : memref<!tpu.dma_semaphore, #tpu.memory_space<semaphore_mem>>)
    %dma_start3A_3 = tpu.memref_slice %arg4[%add3A_1] : memref<320000xf32, #tpu.memory_space<hbm>> -> memref<1600xf32, #tpu.memory_space<hbm>>
    %dma_start3A_4 = tpu.memref_slice %arg4[%add3A_1] : memref<320000xf32, #tpu.memory_space<hbm>> -> memref<1600xf32, #tpu.memory_space<hbm>>
    tpu.enqueue_dma source(%dma_start3A_4 : memref<1600xf32, #tpu.memory_space<hbm>>) target(%arg19 : memref<1600xf32, #tpu.memory_space<vmem>>) target_semaphore(%arg22 : memref<!tpu.dma_semaphore, #tpu.memory_space<semaphore_mem>>)
    %add3A_5 = arith.constant 1600 : i32
    %add3A_6 = arith.addi %mul3A_0, %add3A_5 : i32
    %dma_start3A_7 = tpu.memref_slice %arg3[%add3A_6] : memref<320000xi32, #tpu.memory_space<hbm>> -> memref<1600xi32, #tpu.memory_space<hbm>>
    %dma_start3A_8 = tpu.memref_slice %arg3[%add3A_6] : memref<320000xi32, #tpu.memory_space<hbm>> -> memref<1600xi32, #tpu.memory_space<hbm>>
    tpu.enqueue_dma source(%dma_start3A_8 : memref<1600xi32, #tpu.memory_space<hbm>>) target(%arg20 : memref<1600xi32, #tpu.memory_space<vmem>>) target_semaphore(%arg23 : memref<!tpu.dma_semaphore, #tpu.memory_space<semaphore_mem>>)
    %dma_start3A_9 = tpu.memref_slice %arg4[%add3A_6] : memref<320000xf32, #tpu.memory_space<hbm>> -> memref<1600xf32, #tpu.memory_space<hbm>>
    %dma_start3A_10 = tpu.memref_slice %arg4[%add3A_6] : memref<320000xf32, #tpu.memory_space<hbm>> -> memref<1600xf32, #tpu.memory_space<hbm>>
    tpu.enqueue_dma source(%dma_start3A_10 : memref<1600xf32, #tpu.memory_space<hbm>>) target(%arg21 : memref<1600xf32, #tpu.memory_space<vmem>>) target_semaphore(%arg23 : memref<!tpu.dma_semaphore, #tpu.memory_space<semaphore_mem>>)
    %mul3A_11 = arith.constant 4 : i32
    %mul3A_12 = arith.muli %mul3A_11, %arg1 : i32
    %add3A_13 = arith.constant 0 : i32
    %add3A_14 = arith.addi %mul3A_12, %add3A_13 : i32
    "tpu.region"() ({
      %run_scoped3A = tpu.sem_alloc : memref<!tpu.dma_semaphore, #tpu.memory_space<semaphore_mem>>
      %dma_start3A_74 = arith.constant 0 : i32
      %dma_start3A_75 = tpu.memref_slice %arg2[%add3A_14, %dma_start3A_74] : memref<64x10000xi32, #tpu.memory_space<hbm>> -> memref<1x10000xi32, #tpu.memory_space<hbm>>
      %dma_start3A_76 = tpu.memref_squeeze %dma_start3A_75 : memref<1x10000xi32, #tpu.memory_space<hbm>> -> memref<10000xi32, #tpu.memory_space<hbm>>
      %dma_start3A_77 = arith.constant 0 : i32
      %dma_start3A_78 = tpu.memref_slice %arg2[%add3A_14, %dma_start3A_77] : memref<64x10000xi32, #tpu.memory_space<hbm>> -> memref<1x10000xi32, #tpu.memory_space<hbm>>
      %dma_start3A_79 = tpu.memref_squeeze %dma_start3A_78 : memref<1x10000xi32, #tpu.memory_space<hbm>> -> memref<10000xi32, #tpu.memory_space<hbm>>
      tpu.enqueue_dma source(%dma_start3A_79 : memref<10000xi32, #tpu.memory_space<hbm>>) target(%arg6 : memref<10000xi32, #tpu.memory_space<vmem>>) target_semaphore(%run_scoped3A : memref<!tpu.dma_semaphore, #tpu.memory_space<semaphore_mem>>)
      %dma_wait3A = arith.constant 0 : i32
      %dma_wait3A_80 = tpu.memref_slice %arg2[%add3A_14, %dma_wait3A] : memref<64x10000xi32, #tpu.memory_space<hbm>> -> memref<1x10000xi32, #tpu.memory_space<hbm>>
      %dma_wait3A_81 = tpu.memref_squeeze %dma_wait3A_80 : memref<1x10000xi32, #tpu.memory_space<hbm>> -> memref<10000xi32, #tpu.memory_space<hbm>>
      %dma_wait3A_82 = arith.constant 0 : i32
      %dma_wait3A_83 = tpu.memref_slice %arg2[%add3A_14, %dma_wait3A_82] : memref<64x10000xi32, #tpu.memory_space<hbm>> -> memref<1x10000xi32, #tpu.memory_space<hbm>>
      %dma_wait3A_84 = tpu.memref_squeeze %dma_wait3A_83 : memref<1x10000xi32, #tpu.memory_space<hbm>> -> memref<10000xi32, #tpu.memory_space<hbm>>
      tpu.wait_dma2 semaphore(%run_scoped3A : memref<!tpu.dma_semaphore, #tpu.memory_space<semaphore_mem>>) src(%dma_wait3A_84 : memref<10000xi32, #tpu.memory_space<hbm>>) dst(%arg6 : memref<10000xi32, #tpu.memory_space<vmem>>)
      tpu.yield
    }) : () -> ()
    %mul3A_15 = arith.constant 4 : i32
    %mul3A_16 = arith.muli %mul3A_15, %arg1 : i32
    %add3A_17 = arith.constant 1 : i32
    %add3A_18 = arith.addi %mul3A_16, %add3A_17 : i32
    "tpu.region"() ({
      %run_scoped3A = tpu.sem_alloc : memref<!tpu.dma_semaphore, #tpu.memory_space<semaphore_mem>>
      %dma_start3A_74 = arith.constant 0 : i32
      %dma_start3A_75 = tpu.memref_slice %arg2[%add3A_18, %dma_start3A_74] : memref<64x10000xi32, #tpu.memory_space<hbm>> -> memref<1x10000xi32, #tpu.memory_space<hbm>>
      %dma_start3A_76 = tpu.memref_squeeze %dma_start3A_75 : memref<1x10000xi32, #tpu.memory_space<hbm>> -> memref<10000xi32, #tpu.memory_space<hbm>>
      %dma_start3A_77 = arith.constant 0 : i32
      %dma_start3A_78 = tpu.memref_slice %arg2[%add3A_18, %dma_start3A_77] : memref<64x10000xi32, #tpu.memory_space<hbm>> -> memref<1x10000xi32, #tpu.memory_space<hbm>>
      %dma_start3A_79 = tpu.memref_squeeze %dma_start3A_78 : memref<1x10000xi32, #tpu.memory_space<hbm>> -> memref<10000xi32, #tpu.memory_space<hbm>>
      tpu.enqueue_dma source(%dma_start3A_79 : memref<10000xi32, #tpu.memory_space<hbm>>) target(%arg7 : memref<10000xi32, #tpu.memory_space<vmem>>) target_semaphore(%run_scoped3A : memref<!tpu.dma_semaphore, #tpu.memory_space<semaphore_mem>>)
      %dma_wait3A = arith.constant 0 : i32
      %dma_wait3A_80 = tpu.memref_slice %arg2[%add3A_18, %dma_wait3A] : memref<64x10000xi32, #tpu.memory_space<hbm>> -> memref<1x10000xi32, #tpu.memory_space<hbm>>
      %dma_wait3A_81 = tpu.memref_squeeze %dma_wait3A_80 : memref<1x10000xi32, #tpu.memory_space<hbm>> -> memref<10000xi32, #tpu.memory_space<hbm>>
      %dma_wait3A_82 = arith.constant 0 : i32
      %dma_wait3A_83 = tpu.memref_slice %arg2[%add3A_18, %dma_wait3A_82] : memref<64x10000xi32, #tpu.memory_space<hbm>> -> memref<1x10000xi32, #tpu.memory_space<hbm>>
      %dma_wait3A_84 = tpu.memref_squeeze %dma_wait3A_83 : memref<1x10000xi32, #tpu.memory_space<hbm>> -> memref<10000xi32, #tpu.memory_space<hbm>>
      tpu.wait_dma2 semaphore(%run_scoped3A : memref<!tpu.dma_semaphore, #tpu.memory_space<semaphore_mem>>) src(%dma_wait3A_84 : memref<10000xi32, #tpu.memory_space<hbm>>) dst(%arg7 : memref<10000xi32, #tpu.memory_space<vmem>>)
      tpu.yield
    }) : () -> ()
    %mul3A_19 = arith.constant 4 : i32
    %mul3A_20 = arith.muli %mul3A_19, %arg1 : i32
    %add3A_21 = arith.constant 2 : i32
    %add3A_22 = arith.addi %mul3A_20, %add3A_21 : i32
    "tpu.region"() ({
      %run_scoped3A = tpu.sem_alloc : memref<!tpu.dma_semaphore, #tpu.memory_space<semaphore_mem>>
      %dma_start3A_74 = arith.constant 0 : i32
      %dma_start3A_75 = tpu.memref_slice %arg2[%add3A_22, %dma_start3A_74] : memref<64x10000xi32, #tpu.memory_space<hbm>> -> memref<1x10000xi32, #tpu.memory_space<hbm>>
      %dma_start3A_76 = tpu.memref_squeeze %dma_start3A_75 : memref<1x10000xi32, #tpu.memory_space<hbm>> -> memref<10000xi32, #tpu.memory_space<hbm>>
      %dma_start3A_77 = arith.constant 0 : i32
      %dma_start3A_78 = tpu.memref_slice %arg2[%add3A_22, %dma_start3A_77] : memref<64x10000xi32, #tpu.memory_space<hbm>> -> memref<1x10000xi32, #tpu.memory_space<hbm>>
      %dma_start3A_79 = tpu.memref_squeeze %dma_start3A_78 : memref<1x10000xi32, #tpu.memory_space<hbm>> -> memref<10000xi32, #tpu.memory_space<hbm>>
      tpu.enqueue_dma source(%dma_start3A_79 : memref<10000xi32, #tpu.memory_space<hbm>>) target(%arg8 : memref<10000xi32, #tpu.memory_space<vmem>>) target_semaphore(%run_scoped3A : memref<!tpu.dma_semaphore, #tpu.memory_space<semaphore_mem>>)
      %dma_wait3A = arith.constant 0 : i32
      %dma_wait3A_80 = tpu.memref_slice %arg2[%add3A_22, %dma_wait3A] : memref<64x10000xi32, #tpu.memory_space<hbm>> -> memref<1x10000xi32, #tpu.memory_space<hbm>>
      %dma_wait3A_81 = tpu.memref_squeeze %dma_wait3A_80 : memref<1x10000xi32, #tpu.memory_space<hbm>> -> memref<10000xi32, #tpu.memory_space<hbm>>
      %dma_wait3A_82 = arith.constant 0 : i32
      %dma_wait3A_83 = tpu.memref_slice %arg2[%add3A_22, %dma_wait3A_82] : memref<64x10000xi32, #tpu.memory_space<hbm>> -> memref<1x10000xi32, #tpu.memory_space<hbm>>
      %dma_wait3A_84 = tpu.memref_squeeze %dma_wait3A_83 : memref<1x10000xi32, #tpu.memory_space<hbm>> -> memref<10000xi32, #tpu.memory_space<hbm>>
      tpu.wait_dma2 semaphore(%run_scoped3A : memref<!tpu.dma_semaphore, #tpu.memory_space<semaphore_mem>>) src(%dma_wait3A_84 : memref<10000xi32, #tpu.memory_space<hbm>>) dst(%arg8 : memref<10000xi32, #tpu.memory_space<vmem>>)
      tpu.yield
    }) : () -> ()
    %mul3A_23 = arith.constant 4 : i32
    %mul3A_24 = arith.muli %mul3A_23, %arg1 : i32
    %add3A_25 = arith.constant 3 : i32
    %add3A_26 = arith.addi %mul3A_24, %add3A_25 : i32
    "tpu.region"() ({
      %run_scoped3A = tpu.sem_alloc : memref<!tpu.dma_semaphore, #tpu.memory_space<semaphore_mem>>
      %dma_start3A_74 = arith.constant 0 : i32
      %dma_start3A_75 = tpu.memref_slice %arg2[%add3A_26, %dma_start3A_74] : memref<64x10000xi32, #tpu.memory_space<hbm>> -> memref<1x10000xi32, #tpu.memory_space<hbm>>
      %dma_start3A_76 = tpu.memref_squeeze %dma_start3A_75 : memref<1x10000xi32, #tpu.memory_space<hbm>> -> memref<10000xi32, #tpu.memory_space<hbm>>
      %dma_start3A_77 = arith.constant 0 : i32
      %dma_start3A_78 = tpu.memref_slice %arg2[%add3A_26, %dma_start3A_77] : memref<64x10000xi32, #tpu.memory_space<hbm>> -> memref<1x10000xi32, #tpu.memory_space<hbm>>
      %dma_start3A_79 = tpu.memref_squeeze %dma_start3A_78 : memref<1x10000xi32, #tpu.memory_space<hbm>> -> memref<10000xi32, #tpu.memory_space<hbm>>
      tpu.enqueue_dma source(%dma_start3A_79 : memref<10000xi32, #tpu.memory_space<hbm>>) target(%arg9 : memref<10000xi32, #tpu.memory_space<vmem>>) target_semaphore(%run_scoped3A : memref<!tpu.dma_semaphore, #tpu.memory_space<semaphore_mem>>)
      %dma_wait3A = arith.constant 0 : i32
      %dma_wait3A_80 = tpu.memref_slice %arg2[%add3A_26, %dma_wait3A] : memref<64x10000xi32, #tpu.memory_space<hbm>> -> memref<1x10000xi32, #tpu.memory_space<hbm>>
      %dma_wait3A_81 = tpu.memref_squeeze %dma_wait3A_80 : memref<1x10000xi32, #tpu.memory_space<hbm>> -> memref<10000xi32, #tpu.memory_space<hbm>>
      %dma_wait3A_82 = arith.constant 0 : i32
      %dma_wait3A_83 = tpu.memref_slice %arg2[%add3A_26, %dma_wait3A_82] : memref<64x10000xi32, #tpu.memory_space<hbm>> -> memref<1x10000xi32, #tpu.memory_space<hbm>>
      %dma_wait3A_84 = tpu.memref_squeeze %dma_wait3A_83 : memref<1x10000xi32, #tpu.memory_space<hbm>> -> memref<10000xi32, #tpu.memory_space<hbm>>
      tpu.wait_dma2 semaphore(%run_scoped3A : memref<!tpu.dma_semaphore, #tpu.memory_space<semaphore_mem>>) src(%dma_wait3A_84 : memref<10000xi32, #tpu.memory_space<hbm>>) dst(%arg9 : memref<10000xi32, #tpu.memory_space<vmem>>)
      tpu.yield
    }) : () -> ()
    %broadcast_in_dim3A = arith.constant 0.000000e+00 : f32
    %broadcast_in_dim3A_27 = vector.broadcast %broadcast_in_dim3A : f32 to vector<16xf32>
    %parallel_loop3A = arith.constant 0 : i32
    %parallel_loop3A_28 = arith.constant 625 : i32
    %parallel_loop3A_29 = arith.constant 1 : i32
    scf.for %parallel_loop3A_74 = %parallel_loop3A to %parallel_loop3A_28 step %parallel_loop3A_29  : i32 {
      %parallel_loop3A_75 = arith.constant 16 : i32
      %parallel_loop3A_76 = arith.muli %parallel_loop3A_74, %parallel_loop3A_75 : i32
      %parallel_loop3A_77 = arith.index_cast %parallel_loop3A_76 : i32 to index
      %parallel_loop3A_78 = tpu.vector_load %arg10[%parallel_loop3A_77] {strides = array<i32>} : memref<10000xf32, #tpu.memory_space<vmem>>, vector<16xf32>,
      tpu.vector_store %arg10[%parallel_loop3A_77], %broadcast_in_dim3A_27 {strides = array<i32>} : memref<10000xf32, #tpu.memory_space<vmem>>, vector<16xf32>,
      %parallel_loop3A_79 = arith.index_cast %parallel_loop3A_76 : i32 to index
      %parallel_loop3A_80 = tpu.vector_load %arg11[%parallel_loop3A_79] {strides = array<i32>} : memref<10000xf32, #tpu.memory_space<vmem>>, vector<16xf32>,
      tpu.vector_store %arg11[%parallel_loop3A_79], %broadcast_in_dim3A_27 {strides = array<i32>} : memref<10000xf32, #tpu.memory_space<vmem>>, vector<16xf32>,
      %parallel_loop3A_81 = arith.index_cast %parallel_loop3A_76 : i32 to index
      %parallel_loop3A_82 = tpu.vector_load %arg12[%parallel_loop3A_81] {strides = array<i32>} : memref<10000xf32, #tpu.memory_space<vmem>>, vector<16xf32>,
      tpu.vector_store %arg12[%parallel_loop3A_81], %broadcast_in_dim3A_27 {strides = array<i32>} : memref<10000xf32, #tpu.memory_space<vmem>>, vector<16xf32>,
      %parallel_loop3A_83 = arith.index_cast %parallel_loop3A_76 : i32 to index
      %parallel_loop3A_84 = tpu.vector_load %arg13[%parallel_loop3A_83] {strides = array<i32>} : memref<10000xf32, #tpu.memory_space<vmem>>, vector<16xf32>,
      tpu.vector_store %arg13[%parallel_loop3A_83], %broadcast_in_dim3A_27 {strides = array<i32>} : memref<10000xf32, #tpu.memory_space<vmem>>, vector<16xf32>,
      %parallel_loop3A_85 = arith.index_cast %parallel_loop3A_76 : i32 to index
      %parallel_loop3A_86 = tpu.vector_load %arg14[%parallel_loop3A_85] {strides = array<i32>} : memref<10000xf32, #tpu.memory_space<vmem>>, vector<16xf32>,
      tpu.vector_store %arg14[%parallel_loop3A_85], %broadcast_in_dim3A_27 {strides = array<i32>} : memref<10000xf32, #tpu.memory_space<vmem>>, vector<16xf32>,
      %parallel_loop3A_87 = arith.index_cast %parallel_loop3A_76 : i32 to index
      %parallel_loop3A_88 = tpu.vector_load %arg15[%parallel_loop3A_87] {strides = array<i32>} : memref<10000xf32, #tpu.memory_space<vmem>>, vector<16xf32>,
      tpu.vector_store %arg15[%parallel_loop3A_87], %broadcast_in_dim3A_27 {strides = array<i32>} : memref<10000xf32, #tpu.memory_space<vmem>>, vector<16xf32>,
      %parallel_loop3A_89 = arith.index_cast %parallel_loop3A_76 : i32 to index
      %parallel_loop3A_90 = tpu.vector_load %arg16[%parallel_loop3A_89] {strides = array<i32>} : memref<10000xf32, #tpu.memory_space<vmem>>, vector<16xf32>,
      tpu.vector_store %arg16[%parallel_loop3A_89], %broadcast_in_dim3A_27 {strides = array<i32>} : memref<10000xf32, #tpu.memory_space<vmem>>, vector<16xf32>,
      %parallel_loop3A_91 = arith.index_cast %parallel_loop3A_76 : i32 to index
      %parallel_loop3A_92 = tpu.vector_load %arg17[%parallel_loop3A_91] {strides = array<i32>} : memref<10000xf32, #tpu.memory_space<vmem>>, vector<16xf32>,
      tpu.vector_store %arg17[%parallel_loop3A_91], %broadcast_in_dim3A_27 {strides = array<i32>} : memref<10000xf32, #tpu.memory_space<vmem>>, vector<16xf32>,
    } {sc.loop_unroll_factor = 4 : i64, sc.parallel_access}
    %scan3A = arith.constant 0 : i32
    %scan3A_30 = arith.constant 50 : i32
    %scan3A_31 = arith.addi %scan3A, %scan3A_30 : i32
    %scan3A_32 = arith.constant 1 : i32
    scf.for %scan3A_74 = %scan3A to %scan3A_31 step %scan3A_32  : i32 {
      %mul3A_75 = arith.constant 2 : i32
      %mul3A_76 = arith.muli %mul3A_75, %scan3A_74 : i32
      %add3A_77 = arith.constant 0 : i32
      %add3A_78 = arith.addi %mul3A_76, %add3A_77 : i32
      %dma_wait3A = arith.constant 0 : i32
      %dma_wait3A_79 = tpu.memref_slice %arg3[%dma_wait3A] : memref<320000xi32, #tpu.memory_space<hbm>> -> memref<1600xi32, #tpu.memory_space<hbm>>
      %dma_wait3A_80 = arith.constant 0 : i32
      %dma_wait3A_81 = tpu.memref_slice %arg3[%dma_wait3A_80] : memref<320000xi32, #tpu.memory_space<hbm>> -> memref<1600xi32, #tpu.memory_space<hbm>>
      tpu.wait_dma2 semaphore(%arg22 : memref<!tpu.dma_semaphore, #tpu.memory_space<semaphore_mem>>) src(%dma_wait3A_81 : memref<1600xi32, #tpu.memory_space<hbm>>) dst(%arg18 : memref<1600xi32, #tpu.memory_space<vmem>>)
      %dma_wait3A_82 = arith.constant 0 : i32
      %dma_wait3A_83 = tpu.memref_slice %arg4[%dma_wait3A_82] : memref<320000xf32, #tpu.memory_space<hbm>> -> memref<1600xf32, #tpu.memory_space<hbm>>
      %dma_wait3A_84 = arith.constant 0 : i32
      %dma_wait3A_85 = tpu.memref_slice %arg4[%dma_wait3A_84] : memref<320000xf32, #tpu.memory_space<hbm>> -> memref<1600xf32, #tpu.memory_space<hbm>>
      tpu.wait_dma2 semaphore(%arg22 : memref<!tpu.dma_semaphore, #tpu.memory_space<semaphore_mem>>) src(%dma_wait3A_85 : memref<1600xf32, #tpu.memory_space<hbm>>) dst(%arg19 : memref<1600xf32, #tpu.memory_space<vmem>>)
      %parallel_loop3A_86 = arith.constant 0 : i32
      %parallel_loop3A_87 = arith.constant 100 : i32
      %parallel_loop3A_88 = arith.constant 1 : i32
      scf.for %parallel_loop3A_113 = %parallel_loop3A_86 to %parallel_loop3A_87 step %parallel_loop3A_88  : i32 {
        %parallel_loop3A_114 = arith.constant 16 : i32
        %parallel_loop3A_115 = arith.muli %parallel_loop3A_113, %parallel_loop3A_114 : i32
        %parallel_loop3A_116 = arith.index_cast %parallel_loop3A_115 : i32 to index
        %parallel_loop3A_117 = tpu.vector_load %arg18[%parallel_loop3A_116] {strides = array<i32>} : memref<1600xi32, #tpu.memory_space<vmem>>, vector<16xi32>,
        %parallel_loop3A_118 = arith.index_cast %parallel_loop3A_115 : i32 to index
        %parallel_loop3A_119 = tpu.vector_load %arg19[%parallel_loop3A_118] {strides = array<i32>} : memref<1600xf32, #tpu.memory_space<vmem>>, vector<16xf32>,
        %parallel_loop3A_120 = arith.constant 16383 : i32
        %parallel_loop3A_121 = vector.broadcast %parallel_loop3A_120 : i32 to vector<16xi32>
        %parallel_loop3A_122 = arith.andi %parallel_loop3A_117, %parallel_loop3A_121 : vector<16xi32>
        %parallel_loop3A_123 = arith.constant 14 : i32
        %parallel_loop3A_124 = vector.broadcast %parallel_loop3A_123 : i32 to vector<16xi32>
        %parallel_loop3A_125 = arith.shrui %parallel_loop3A_117, %parallel_loop3A_124 : vector<16xi32>
        %parallel_loop3A_126 = tpu.vector_load_idx %arg6[%parallel_loop3A_122] : memref<10000xi32, #tpu.memory_space<vmem>>[vector<16xi32>], vector<16xi32>,
        %parallel_loop3A_127 = arith.constant 16 : i32
        %parallel_loop3A_128 = vector.broadcast %parallel_loop3A_127 : i32 to vector<16xi32>
        %parallel_loop3A_129 = arith.shli %parallel_loop3A_126, %parallel_loop3A_128 : vector<16xi32>
        %parallel_loop3A_130 = vector.bitcast %parallel_loop3A_129 : vector<16xi32> to vector<16xf32>
        %parallel_loop3A_131 = arith.constant -65536 : i32
        %parallel_loop3A_132 = vector.broadcast %parallel_loop3A_131 : i32 to vector<16xi32>
        %parallel_loop3A_133 = arith.andi %parallel_loop3A_126, %parallel_loop3A_132 : vector<16xi32>
        %parallel_loop3A_134 = vector.bitcast %parallel_loop3A_133 : vector<16xi32> to vector<16xf32>
        %parallel_loop3A_135 = arith.mulf %parallel_loop3A_130, %parallel_loop3A_119 : vector<16xf32>
        tpu.vector_store_idx %arg10[%parallel_loop3A_125], %parallel_loop3A_135 {add = true} : memref<10000xf32, #tpu.memory_space<vmem>>[vector<16xi32>], vector<16xf32>,
        %parallel_loop3A_136 = arith.mulf %parallel_loop3A_134, %parallel_loop3A_119 : vector<16xf32>
        tpu.vector_store_idx %arg11[%parallel_loop3A_125], %parallel_loop3A_136 {add = true} : memref<10000xf32, #tpu.memory_space<vmem>>[vector<16xi32>], vector<16xf32>,
        %parallel_loop3A_137 = tpu.vector_load_idx %arg7[%parallel_loop3A_122] : memref<10000xi32, #tpu.memory_space<vmem>>[vector<16xi32>], vector<16xi32>,
        %parallel_loop3A_138 = arith.constant 16 : i32
        %parallel_loop3A_139 = vector.broadcast %parallel_loop3A_138 : i32 to vector<16xi32>
        %parallel_loop3A_140 = arith.shli %parallel_loop3A_137, %parallel_loop3A_139 : vector<16xi32>
        %parallel_loop3A_141 = vector.bitcast %parallel_loop3A_140 : vector<16xi32> to vector<16xf32>
        %parallel_loop3A_142 = arith.constant -65536 : i32
        %parallel_loop3A_143 = vector.broadcast %parallel_loop3A_142 : i32 to vector<16xi32>
        %parallel_loop3A_144 = arith.andi %parallel_loop3A_137, %parallel_loop3A_143 : vector<16xi32>
        %parallel_loop3A_145 = vector.bitcast %parallel_loop3A_144 : vector<16xi32> to vector<16xf32>
        %parallel_loop3A_146 = arith.mulf %parallel_loop3A_141, %parallel_loop3A_119 : vector<16xf32>
        tpu.vector_store_idx %arg12[%parallel_loop3A_125], %parallel_loop3A_146 {add = true} : memref<10000xf32, #tpu.memory_space<vmem>>[vector<16xi32>], vector<16xf32>,
        %parallel_loop3A_147 = arith.mulf %parallel_loop3A_145, %parallel_loop3A_119 : vector<16xf32>
        tpu.vector_store_idx %arg13[%parallel_loop3A_125], %parallel_loop3A_147 {add = true} : memref<10000xf32, #tpu.memory_space<vmem>>[vector<16xi32>], vector<16xf32>,
        %parallel_loop3A_148 = tpu.vector_load_idx %arg8[%parallel_loop3A_122] : memref<10000xi32, #tpu.memory_space<vmem>>[vector<16xi32>], vector<16xi32>,
        %parallel_loop3A_149 = arith.constant 16 : i32
        %parallel_loop3A_150 = vector.broadcast %parallel_loop3A_149 : i32 to vector<16xi32>
        %parallel_loop3A_151 = arith.shli %parallel_loop3A_148, %parallel_loop3A_150 : vector<16xi32>
        %parallel_loop3A_152 = vector.bitcast %parallel_loop3A_151 : vector<16xi32> to vector<16xf32>
        %parallel_loop3A_153 = arith.constant -65536 : i32
        %parallel_loop3A_154 = vector.broadcast %parallel_loop3A_153 : i32 to vector<16xi32>
        %parallel_loop3A_155 = arith.andi %parallel_loop3A_148, %parallel_loop3A_154 : vector<16xi32>
        %parallel_loop3A_156 = vector.bitcast %parallel_loop3A_155 : vector<16xi32> to vector<16xf32>
        %parallel_loop3A_157 = arith.mulf %parallel_loop3A_152, %parallel_loop3A_119 : vector<16xf32>
        tpu.vector_store_idx %arg14[%parallel_loop3A_125], %parallel_loop3A_157 {add = true} : memref<10000xf32, #tpu.memory_space<vmem>>[vector<16xi32>], vector<16xf32>,
        %parallel_loop3A_158 = arith.mulf %parallel_loop3A_156, %parallel_loop3A_119 : vector<16xf32>
        tpu.vector_store_idx %arg15[%parallel_loop3A_125], %parallel_loop3A_158 {add = true} : memref<10000xf32, #tpu.memory_space<vmem>>[vector<16xi32>], vector<16xf32>,
        %parallel_loop3A_159 = tpu.vector_load_idx %arg9[%parallel_loop3A_122] : memref<10000xi32, #tpu.memory_space<vmem>>[vector<16xi32>], vector<16xi32>,
        %parallel_loop3A_160 = arith.constant 16 : i32
        %parallel_loop3A_161 = vector.broadcast %parallel_loop3A_160 : i32 to vector<16xi32>
        %parallel_loop3A_162 = arith.shli %parallel_loop3A_159, %parallel_loop3A_161 : vector<16xi32>
        %parallel_loop3A_163 = vector.bitcast %parallel_loop3A_162 : vector<16xi32> to vector<16xf32>
        %parallel_loop3A_164 = arith.constant -65536 : i32
        %parallel_loop3A_165 = vector.broadcast %parallel_loop3A_164 : i32 to vector<16xi32>
        %parallel_loop3A_166 = arith.andi %parallel_loop3A_159, %parallel_loop3A_165 : vector<16xi32>
        %parallel_loop3A_167 = vector.bitcast %parallel_loop3A_166 : vector<16xi32> to vector<16xf32>
        %parallel_loop3A_168 = arith.mulf %parallel_loop3A_163, %parallel_loop3A_119 : vector<16xf32>
        tpu.vector_store_idx %arg16[%parallel_loop3A_125], %parallel_loop3A_168 {add = true} : memref<10000xf32, #tpu.memory_space<vmem>>[vector<16xi32>], vector<16xf32>,
        %parallel_loop3A_169 = arith.mulf %parallel_loop3A_167, %parallel_loop3A_119 : vector<16xf32>
        tpu.vector_store_idx %arg17[%parallel_loop3A_125], %parallel_loop3A_169 {add = true} : memref<10000xf32, #tpu.memory_space<vmem>>[vector<16xi32>], vector<16xf32>,
      } {sc.loop_unroll_factor = 4 : i64, sc.parallel_access}
      %add3A_89 = arith.constant 2 : i32
      %add3A_90 = arith.addi %add3A_78, %add3A_89 : i32
      %lt3A = arith.constant 100 : i32
      %lt3A_91 = arith.cmpi slt, %add3A_90, %lt3A : i32
      %convert_element_type3A = arith.extui %lt3A_91 : i1 to i32
      %cond3A = arith.constant 0 : i32
      %cond3A_92 = arith.cmpi ne, %convert_element_type3A, %cond3A : i32
      scf.if %cond3A_92 {
        %add3A_113 = arith.constant 2 : i32
        %add3A_114 = arith.addi %add3A_78, %add3A_113 : i32
        %mul3A_115 = arith.constant 1600 : i32
        %mul3A_116 = arith.muli %add3A_114, %mul3A_115 : i32
        %add3A_117 = arith.addi %mul3A_0, %mul3A_116 : i32
        %dma_start3A_118 = tpu.memref_slice %arg3[%add3A_117] : memref<320000xi32, #tpu.memory_space<hbm>> -> memref<1600xi32, #tpu.memory_space<hbm>>
        %dma_start3A_119 = tpu.memref_slice %arg3[%add3A_117] : memref<320000xi32, #tpu.memory_space<hbm>> -> memref<1600xi32, #tpu.memory_space<hbm>>
        tpu.enqueue_dma source(%dma_start3A_119 : memref<1600xi32, #tpu.memory_space<hbm>>) target(%arg18 : memref<1600xi32, #tpu.memory_space<vmem>>) target_semaphore(%arg22 : memref<!tpu.dma_semaphore, #tpu.memory_space<semaphore_mem>>)
        %dma_start3A_120 = tpu.memref_slice %arg4[%add3A_117] : memref<320000xf32, #tpu.memory_space<hbm>> -> memref<1600xf32, #tpu.memory_space<hbm>>
        %dma_start3A_121 = tpu.memref_slice %arg4[%add3A_117] : memref<320000xf32, #tpu.memory_space<hbm>> -> memref<1600xf32, #tpu.memory_space<hbm>>
        tpu.enqueue_dma source(%dma_start3A_121 : memref<1600xf32, #tpu.memory_space<hbm>>) target(%arg19 : memref<1600xf32, #tpu.memory_space<vmem>>) target_semaphore(%arg22 : memref<!tpu.dma_semaphore, #tpu.memory_space<semaphore_mem>>)
      } else {
      }
      %add3A_93 = arith.constant 1 : i32
      %add3A_94 = arith.addi %mul3A_76, %add3A_93 : i32
      %dma_wait3A_95 = arith.constant 0 : i32
      %dma_wait3A_96 = tpu.memref_slice %arg3[%dma_wait3A_95] : memref<320000xi32, #tpu.memory_space<hbm>> -> memref<1600xi32, #tpu.memory_space<hbm>>
      %dma_wait3A_97 = arith.constant 0 : i32
      %dma_wait3A_98 = tpu.memref_slice %arg3[%dma_wait3A_97] : memref<320000xi32, #tpu.memory_space<hbm>> -> memref<1600xi32, #tpu.memory_space<hbm>>
      tpu.wait_dma2 semaphore(%arg23 : memref<!tpu.dma_semaphore, #tpu.memory_space<semaphore_mem>>) src(%dma_wait3A_98 : memref<1600xi32, #tpu.memory_space<hbm>>) dst(%arg20 : memref<1600xi32, #tpu.memory_space<vmem>>)
      %dma_wait3A_99 = arith.constant 0 : i32
      %dma_wait3A_100 = tpu.memref_slice %arg4[%dma_wait3A_99] : memref<320000xf32, #tpu.memory_space<hbm>> -> memref<1600xf32, #tpu.memory_space<hbm>>
      %dma_wait3A_101 = arith.constant 0 : i32
      %dma_wait3A_102 = tpu.memref_slice %arg4[%dma_wait3A_101] : memref<320000xf32, #tpu.memory_space<hbm>> -> memref<1600xf32, #tpu.memory_space<hbm>>
      tpu.wait_dma2 semaphore(%arg23 : memref<!tpu.dma_semaphore, #tpu.memory_space<semaphore_mem>>) src(%dma_wait3A_102 : memref<1600xf32, #tpu.memory_space<hbm>>) dst(%arg21 : memref<1600xf32, #tpu.memory_space<vmem>>)
      %parallel_loop3A_103 = arith.constant 0 : i32
      %parallel_loop3A_104 = arith.constant 100 : i32
      %parallel_loop3A_105 = arith.constant 1 : i32
      scf.for %parallel_loop3A_113 = %parallel_loop3A_103 to %parallel_loop3A_104 step %parallel_loop3A_105  : i32 {
        %parallel_loop3A_114 = arith.constant 16 : i32
        %parallel_loop3A_115 = arith.muli %parallel_loop3A_113, %parallel_loop3A_114 : i32
        %parallel_loop3A_116 = arith.index_cast %parallel_loop3A_115 : i32 to index
        %parallel_loop3A_117 = tpu.vector_load %arg20[%parallel_loop3A_116] {strides = array<i32>} : memref<1600xi32, #tpu.memory_space<vmem>>, vector<16xi32>,
        %parallel_loop3A_118 = arith.index_cast %parallel_loop3A_115 : i32 to index
        %parallel_loop3A_119 = tpu.vector_load %arg21[%parallel_loop3A_118] {strides = array<i32>} : memref<1600xf32, #tpu.memory_space<vmem>>, vector<16xf32>,
        %parallel_loop3A_120 = arith.constant 16383 : i32
        %parallel_loop3A_121 = vector.broadcast %parallel_loop3A_120 : i32 to vector<16xi32>
        %parallel_loop3A_122 = arith.andi %parallel_loop3A_117, %parallel_loop3A_121 : vector<16xi32>
        %parallel_loop3A_123 = arith.constant 14 : i32
        %parallel_loop3A_124 = vector.broadcast %parallel_loop3A_123 : i32 to vector<16xi32>
        %parallel_loop3A_125 = arith.shrui %parallel_loop3A_117, %parallel_loop3A_124 : vector<16xi32>
        %parallel_loop3A_126 = tpu.vector_load_idx %arg6[%parallel_loop3A_122] : memref<10000xi32, #tpu.memory_space<vmem>>[vector<16xi32>], vector<16xi32>,
        %parallel_loop3A_127 = arith.constant 16 : i32
        %parallel_loop3A_128 = vector.broadcast %parallel_loop3A_127 : i32 to vector<16xi32>
        %parallel_loop3A_129 = arith.shli %parallel_loop3A_126, %parallel_loop3A_128 : vector<16xi32>
        %parallel_loop3A_130 = vector.bitcast %parallel_loop3A_129 : vector<16xi32> to vector<16xf32>
        %parallel_loop3A_131 = arith.constant -65536 : i32
        %parallel_loop3A_132 = vector.broadcast %parallel_loop3A_131 : i32 to vector<16xi32>
        %parallel_loop3A_133 = arith.andi %parallel_loop3A_126, %parallel_loop3A_132 : vector<16xi32>
        %parallel_loop3A_134 = vector.bitcast %parallel_loop3A_133 : vector<16xi32> to vector<16xf32>
        %parallel_loop3A_135 = arith.mulf %parallel_loop3A_130, %parallel_loop3A_119 : vector<16xf32>
        tpu.vector_store_idx %arg10[%parallel_loop3A_125], %parallel_loop3A_135 {add = true} : memref<10000xf32, #tpu.memory_space<vmem>>[vector<16xi32>], vector<16xf32>,
        %parallel_loop3A_136 = arith.mulf %parallel_loop3A_134, %parallel_loop3A_119 : vector<16xf32>
        tpu.vector_store_idx %arg11[%parallel_loop3A_125], %parallel_loop3A_136 {add = true} : memref<10000xf32, #tpu.memory_space<vmem>>[vector<16xi32>], vector<16xf32>,
        %parallel_loop3A_137 = tpu.vector_load_idx %arg7[%parallel_loop3A_122] : memref<10000xi32, #tpu.memory_space<vmem>>[vector<16xi32>], vector<16xi32>,
        %parallel_loop3A_138 = arith.constant 16 : i32
        %parallel_loop3A_139 = vector.broadcast %parallel_loop3A_138 : i32 to vector<16xi32>
        %parallel_loop3A_140 = arith.shli %parallel_loop3A_137, %parallel_loop3A_139 : vector<16xi32>
        %parallel_loop3A_141 = vector.bitcast %parallel_loop3A_140 : vector<16xi32> to vector<16xf32>
        %parallel_loop3A_142 = arith.constant -65536 : i32
        %parallel_loop3A_143 = vector.broadcast %parallel_loop3A_142 : i32 to vector<16xi32>
        %parallel_loop3A_144 = arith.andi %parallel_loop3A_137, %parallel_loop3A_143 : vector<16xi32>
        %parallel_loop3A_145 = vector.bitcast %parallel_loop3A_144 : vector<16xi32> to vector<16xf32>
        %parallel_loop3A_146 = arith.mulf %parallel_loop3A_141, %parallel_loop3A_119 : vector<16xf32>
        tpu.vector_store_idx %arg12[%parallel_loop3A_125], %parallel_loop3A_146 {add = true} : memref<10000xf32, #tpu.memory_space<vmem>>[vector<16xi32>], vector<16xf32>,
        %parallel_loop3A_147 = arith.mulf %parallel_loop3A_145, %parallel_loop3A_119 : vector<16xf32>
        tpu.vector_store_idx %arg13[%parallel_loop3A_125], %parallel_loop3A_147 {add = true} : memref<10000xf32, #tpu.memory_space<vmem>>[vector<16xi32>], vector<16xf32>,
        %parallel_loop3A_148 = tpu.vector_load_idx %arg8[%parallel_loop3A_122] : memref<10000xi32, #tpu.memory_space<vmem>>[vector<16xi32>], vector<16xi32>,
        %parallel_loop3A_149 = arith.constant 16 : i32
        %parallel_loop3A_150 = vector.broadcast %parallel_loop3A_149 : i32 to vector<16xi32>
        %parallel_loop3A_151 = arith.shli %parallel_loop3A_148, %parallel_loop3A_150 : vector<16xi32>
        %parallel_loop3A_152 = vector.bitcast %parallel_loop3A_151 : vector<16xi32> to vector<16xf32>
        %parallel_loop3A_153 = arith.constant -65536 : i32
        %parallel_loop3A_154 = vector.broadcast %parallel_loop3A_153 : i32 to vector<16xi32>
        %parallel_loop3A_155 = arith.andi %parallel_loop3A_148, %parallel_loop3A_154 : vector<16xi32>
        %parallel_loop3A_156 = vector.bitcast %parallel_loop3A_155 : vector<16xi32> to vector<16xf32>
        %parallel_loop3A_157 = arith.mulf %parallel_loop3A_152, %parallel_loop3A_119 : vector<16xf32>
        tpu.vector_store_idx %arg14[%parallel_loop3A_125], %parallel_loop3A_157 {add = true} : memref<10000xf32, #tpu.memory_space<vmem>>[vector<16xi32>], vector<16xf32>,
        %parallel_loop3A_158 = arith.mulf %parallel_loop3A_156, %parallel_loop3A_119 : vector<16xf32>
        tpu.vector_store_idx %arg15[%parallel_loop3A_125], %parallel_loop3A_158 {add = true} : memref<10000xf32, #tpu.memory_space<vmem>>[vector<16xi32>], vector<16xf32>,
        %parallel_loop3A_159 = tpu.vector_load_idx %arg9[%parallel_loop3A_122] : memref<10000xi32, #tpu.memory_space<vmem>>[vector<16xi32>], vector<16xi32>,
        %parallel_loop3A_160 = arith.constant 16 : i32
        %parallel_loop3A_161 = vector.broadcast %parallel_loop3A_160 : i32 to vector<16xi32>
        %parallel_loop3A_162 = arith.shli %parallel_loop3A_159, %parallel_loop3A_161 : vector<16xi32>
        %parallel_loop3A_163 = vector.bitcast %parallel_loop3A_162 : vector<16xi32> to vector<16xf32>
        %parallel_loop3A_164 = arith.constant -65536 : i32
        %parallel_loop3A_165 = vector.broadcast %parallel_loop3A_164 : i32 to vector<16xi32>
        %parallel_loop3A_166 = arith.andi %parallel_loop3A_159, %parallel_loop3A_165 : vector<16xi32>
        %parallel_loop3A_167 = vector.bitcast %parallel_loop3A_166 : vector<16xi32> to vector<16xf32>
        %parallel_loop3A_168 = arith.mulf %parallel_loop3A_163, %parallel_loop3A_119 : vector<16xf32>
        tpu.vector_store_idx %arg16[%parallel_loop3A_125], %parallel_loop3A_168 {add = true} : memref<10000xf32, #tpu.memory_space<vmem>>[vector<16xi32>], vector<16xf32>,
        %parallel_loop3A_169 = arith.mulf %parallel_loop3A_167, %parallel_loop3A_119 : vector<16xf32>
        tpu.vector_store_idx %arg17[%parallel_loop3A_125], %parallel_loop3A_169 {add = true} : memref<10000xf32, #tpu.memory_space<vmem>>[vector<16xi32>], vector<16xf32>,
      } {sc.loop_unroll_factor = 4 : i64, sc.parallel_access}
      %add3A_106 = arith.constant 2 : i32
      %add3A_107 = arith.addi %add3A_94, %add3A_106 : i32
      %lt3A_108 = arith.constant 100 : i32
      %lt3A_109 = arith.cmpi slt, %add3A_107, %lt3A_108 : i32
      %convert_element_type3A_110 = arith.extui %lt3A_109 : i1 to i32
      %cond3A_111 = arith.constant 0 : i32
      %cond3A_112 = arith.cmpi ne, %convert_element_type3A_110, %cond3A_111 : i32
      scf.if %cond3A_112 {
        %add3A_113 = arith.constant 2 : i32
        %add3A_114 = arith.addi %add3A_94, %add3A_113 : i32
        %mul3A_115 = arith.constant 1600 : i32
        %mul3A_116 = arith.muli %add3A_114, %mul3A_115 : i32
        %add3A_117 = arith.addi %mul3A_0, %mul3A_116 : i32
        %dma_start3A_118 = tpu.memref_slice %arg3[%add3A_117] : memref<320000xi32, #tpu.memory_space<hbm>> -> memref<1600xi32, #tpu.memory_space<hbm>>
        %dma_start3A_119 = tpu.memref_slice %arg3[%add3A_117] : memref<320000xi32, #tpu.memory_space<hbm>> -> memref<1600xi32, #tpu.memory_space<hbm>>
        tpu.enqueue_dma source(%dma_start3A_119 : memref<1600xi32, #tpu.memory_space<hbm>>) target(%arg20 : memref<1600xi32, #tpu.memory_space<vmem>>) target_semaphore(%arg23 : memref<!tpu.dma_semaphore, #tpu.memory_space<semaphore_mem>>)
        %dma_start3A_120 = tpu.memref_slice %arg4[%add3A_117] : memref<320000xf32, #tpu.memory_space<hbm>> -> memref<1600xf32, #tpu.memory_space<hbm>>
        %dma_start3A_121 = tpu.memref_slice %arg4[%add3A_117] : memref<320000xf32, #tpu.memory_space<hbm>> -> memref<1600xf32, #tpu.memory_space<hbm>>
        tpu.enqueue_dma source(%dma_start3A_121 : memref<1600xf32, #tpu.memory_space<hbm>>) target(%arg21 : memref<1600xf32, #tpu.memory_space<vmem>>) target_semaphore(%arg23 : memref<!tpu.dma_semaphore, #tpu.memory_space<semaphore_mem>>)
      } else {
      }
    }
    %scan3A_33 = arith.constant 50 : i32
    %mul3A_34 = arith.constant 4 : i32
    %mul3A_35 = arith.muli %mul3A_34, %arg1 : i32
    %add3A_36 = arith.constant 0 : i32
    %add3A_37 = arith.addi %mul3A_35, %add3A_36 : i32
    "tpu.region"() ({
      %run_scoped3A = tpu.sem_alloc : memref<!tpu.dma_semaphore, #tpu.memory_space<semaphore_mem>>
      %dma_start3A_74 = arith.constant 0 : i32
      %dma_start3A_75 = tpu.memref_slice %arg5[%arg0, %add3A_37, %dma_start3A_74] : memref<2x128x10000xf32, #tpu.memory_space<hbm>> -> memref<1x1x10000xf32, #tpu.memory_space<hbm>>
      %dma_start3A_76 = tpu.memref_squeeze %dma_start3A_75 : memref<1x1x10000xf32, #tpu.memory_space<hbm>> -> memref<10000xf32, #tpu.memory_space<hbm>>
      %dma_start3A_77 = arith.constant 0 : i32
      %dma_start3A_78 = tpu.memref_slice %arg5[%arg0, %add3A_37, %dma_start3A_77] : memref<2x128x10000xf32, #tpu.memory_space<hbm>> -> memref<1x1x10000xf32, #tpu.memory_space<hbm>>
      %dma_start3A_79 = tpu.memref_squeeze %dma_start3A_78 : memref<1x1x10000xf32, #tpu.memory_space<hbm>> -> memref<10000xf32, #tpu.memory_space<hbm>>
      tpu.enqueue_dma source(%arg10 : memref<10000xf32, #tpu.memory_space<vmem>>) target(%dma_start3A_79 : memref<10000xf32, #tpu.memory_space<hbm>>) target_semaphore(%run_scoped3A : memref<!tpu.dma_semaphore, #tpu.memory_space<semaphore_mem>>)
      %dma_wait3A = arith.constant 0 : i32
      %dma_wait3A_80 = tpu.memref_slice %arg5[%arg0, %add3A_37, %dma_wait3A] : memref<2x128x10000xf32, #tpu.memory_space<hbm>> -> memref<1x1x10000xf32, #tpu.memory_space<hbm>>
      %dma_wait3A_81 = tpu.memref_squeeze %dma_wait3A_80 : memref<1x1x10000xf32, #tpu.memory_space<hbm>> -> memref<10000xf32, #tpu.memory_space<hbm>>
      %dma_wait3A_82 = arith.constant 0 : i32
      %dma_wait3A_83 = tpu.memref_slice %arg5[%arg0, %add3A_37, %dma_wait3A_82] : memref<2x128x10000xf32, #tpu.memory_space<hbm>> -> memref<1x1x10000xf32, #tpu.memory_space<hbm>>
      %dma_wait3A_84 = tpu.memref_squeeze %dma_wait3A_83 : memref<1x1x10000xf32, #tpu.memory_space<hbm>> -> memref<10000xf32, #tpu.memory_space<hbm>>
      tpu.wait_dma2 semaphore(%run_scoped3A : memref<!tpu.dma_semaphore, #tpu.memory_space<semaphore_mem>>) src(%arg10 : memref<10000xf32, #tpu.memory_space<vmem>>) dst(%dma_wait3A_84 : memref<10000xf32, #tpu.memory_space<hbm>>)
      tpu.yield
    }) : () -> ()
    %mul3A_38 = arith.constant 4 : i32
    %mul3A_39 = arith.muli %mul3A_38, %arg1 : i32
    %add3A_40 = arith.constant 64 : i32
    %add3A_41 = arith.addi %add3A_40, %mul3A_39 : i32
    %add3A_42 = arith.constant 0 : i32
    %add3A_43 = arith.addi %add3A_41, %add3A_42 : i32
    "tpu.region"() ({
      %run_scoped3A = tpu.sem_alloc : memref<!tpu.dma_semaphore, #tpu.memory_space<semaphore_mem>>
      %dma_start3A_74 = arith.constant 0 : i32
      %dma_start3A_75 = tpu.memref_slice %arg5[%arg0, %add3A_43, %dma_start3A_74] : memref<2x128x10000xf32, #tpu.memory_space<hbm>> -> memref<1x1x10000xf32, #tpu.memory_space<hbm>>
      %dma_start3A_76 = tpu.memref_squeeze %dma_start3A_75 : memref<1x1x10000xf32, #tpu.memory_space<hbm>> -> memref<10000xf32, #tpu.memory_space<hbm>>
      %dma_start3A_77 = arith.constant 0 : i32
      %dma_start3A_78 = tpu.memref_slice %arg5[%arg0, %add3A_43, %dma_start3A_77] : memref<2x128x10000xf32, #tpu.memory_space<hbm>> -> memref<1x1x10000xf32, #tpu.memory_space<hbm>>
      %dma_start3A_79 = tpu.memref_squeeze %dma_start3A_78 : memref<1x1x10000xf32, #tpu.memory_space<hbm>> -> memref<10000xf32, #tpu.memory_space<hbm>>
      tpu.enqueue_dma source(%arg11 : memref<10000xf32, #tpu.memory_space<vmem>>) target(%dma_start3A_79 : memref<10000xf32, #tpu.memory_space<hbm>>) target_semaphore(%run_scoped3A : memref<!tpu.dma_semaphore, #tpu.memory_space<semaphore_mem>>)
      %dma_wait3A = arith.constant 0 : i32
      %dma_wait3A_80 = tpu.memref_slice %arg5[%arg0, %add3A_43, %dma_wait3A] : memref<2x128x10000xf32, #tpu.memory_space<hbm>> -> memref<1x1x10000xf32, #tpu.memory_space<hbm>>
      %dma_wait3A_81 = tpu.memref_squeeze %dma_wait3A_80 : memref<1x1x10000xf32, #tpu.memory_space<hbm>> -> memref<10000xf32, #tpu.memory_space<hbm>>
      %dma_wait3A_82 = arith.constant 0 : i32
      %dma_wait3A_83 = tpu.memref_slice %arg5[%arg0, %add3A_43, %dma_wait3A_82] : memref<2x128x10000xf32, #tpu.memory_space<hbm>> -> memref<1x1x10000xf32, #tpu.memory_space<hbm>>
      %dma_wait3A_84 = tpu.memref_squeeze %dma_wait3A_83 : memref<1x1x10000xf32, #tpu.memory_space<hbm>> -> memref<10000xf32, #tpu.memory_space<hbm>>
      tpu.wait_dma2 semaphore(%run_scoped3A : memref<!tpu.dma_semaphore, #tpu.memory_space<semaphore_mem>>) src(%arg11 : memref<10000xf32, #tpu.memory_space<vmem>>) dst(%dma_wait3A_84 : memref<10000xf32, #tpu.memory_space<hbm>>)
      tpu.yield
    }) : () -> ()
    %mul3A_44 = arith.constant 4 : i32
    %mul3A_45 = arith.muli %mul3A_44, %arg1 : i32
    %add3A_46 = arith.constant 1 : i32
    %add3A_47 = arith.addi %mul3A_45, %add3A_46 : i32
    "tpu.region"() ({
      %run_scoped3A = tpu.sem_alloc : memref<!tpu.dma_semaphore, #tpu.memory_space<semaphore_mem>>
      %dma_start3A_74 = arith.constant 0 : i32
      %dma_start3A_75 = tpu.memref_slice %arg5[%arg0, %add3A_47, %dma_start3A_74] : memref<2x128x10000xf32, #tpu.memory_space<hbm>> -> memref<1x1x10000xf32, #tpu.memory_space<hbm>>
      %dma_start3A_76 = tpu.memref_squeeze %dma_start3A_75 : memref<1x1x10000xf32, #tpu.memory_space<hbm>> -> memref<10000xf32, #tpu.memory_space<hbm>>
      %dma_start3A_77 = arith.constant 0 : i32
      %dma_start3A_78 = tpu.memref_slice %arg5[%arg0, %add3A_47, %dma_start3A_77] : memref<2x128x10000xf32, #tpu.memory_space<hbm>> -> memref<1x1x10000xf32, #tpu.memory_space<hbm>>
      %dma_start3A_79 = tpu.memref_squeeze %dma_start3A_78 : memref<1x1x10000xf32, #tpu.memory_space<hbm>> -> memref<10000xf32, #tpu.memory_space<hbm>>
      tpu.enqueue_dma source(%arg12 : memref<10000xf32, #tpu.memory_space<vmem>>) target(%dma_start3A_79 : memref<10000xf32, #tpu.memory_space<hbm>>) target_semaphore(%run_scoped3A : memref<!tpu.dma_semaphore, #tpu.memory_space<semaphore_mem>>)
      %dma_wait3A = arith.constant 0 : i32
      %dma_wait3A_80 = tpu.memref_slice %arg5[%arg0, %add3A_47, %dma_wait3A] : memref<2x128x10000xf32, #tpu.memory_space<hbm>> -> memref<1x1x10000xf32, #tpu.memory_space<hbm>>
      %dma_wait3A_81 = tpu.memref_squeeze %dma_wait3A_80 : memref<1x1x10000xf32, #tpu.memory_space<hbm>> -> memref<10000xf32, #tpu.memory_space<hbm>>
      %dma_wait3A_82 = arith.constant 0 : i32
      %dma_wait3A_83 = tpu.memref_slice %arg5[%arg0, %add3A_47, %dma_wait3A_82] : memref<2x128x10000xf32, #tpu.memory_space<hbm>> -> memref<1x1x10000xf32, #tpu.memory_space<hbm>>
      %dma_wait3A_84 = tpu.memref_squeeze %dma_wait3A_83 : memref<1x1x10000xf32, #tpu.memory_space<hbm>> -> memref<10000xf32, #tpu.memory_space<hbm>>
      tpu.wait_dma2 semaphore(%run_scoped3A : memref<!tpu.dma_semaphore, #tpu.memory_space<semaphore_mem>>) src(%arg12 : memref<10000xf32, #tpu.memory_space<vmem>>) dst(%dma_wait3A_84 : memref<10000xf32, #tpu.memory_space<hbm>>)
      tpu.yield
    }) : () -> ()
    %mul3A_48 = arith.constant 4 : i32
    %mul3A_49 = arith.muli %mul3A_48, %arg1 : i32
    %add3A_50 = arith.constant 64 : i32
    %add3A_51 = arith.addi %add3A_50, %mul3A_49 : i32
    %add3A_52 = arith.constant 1 : i32
    %add3A_53 = arith.addi %add3A_51, %add3A_52 : i32
    "tpu.region"() ({
      %run_scoped3A = tpu.sem_alloc : memref<!tpu.dma_semaphore, #tpu.memory_space<semaphore_mem>>
      %dma_start3A_74 = arith.constant 0 : i32
      %dma_start3A_75 = tpu.memref_slice %arg5[%arg0, %add3A_53, %dma_start3A_74] : memref<2x128x10000xf32, #tpu.memory_space<hbm>> -> memref<1x1x10000xf32, #tpu.memory_space<hbm>>
      %dma_start3A_76 = tpu.memref_squeeze %dma_start3A_75 : memref<1x1x10000xf32, #tpu.memory_space<hbm>> -> memref<10000xf32, #tpu.memory_space<hbm>>
      %dma_start3A_77 = arith.constant 0 : i32
      %dma_start3A_78 = tpu.memref_slice %arg5[%arg0, %add3A_53, %dma_start3A_77] : memref<2x128x10000xf32, #tpu.memory_space<hbm>> -> memref<1x1x10000xf32, #tpu.memory_space<hbm>>
      %dma_start3A_79 = tpu.memref_squeeze %dma_start3A_78 : memref<1x1x10000xf32, #tpu.memory_space<hbm>> -> memref<10000xf32, #tpu.memory_space<hbm>>
      tpu.enqueue_dma source(%arg13 : memref<10000xf32, #tpu.memory_space<vmem>>) target(%dma_start3A_79 : memref<10000xf32, #tpu.memory_space<hbm>>) target_semaphore(%run_scoped3A : memref<!tpu.dma_semaphore, #tpu.memory_space<semaphore_mem>>)
      %dma_wait3A = arith.constant 0 : i32
      %dma_wait3A_80 = tpu.memref_slice %arg5[%arg0, %add3A_53, %dma_wait3A] : memref<2x128x10000xf32, #tpu.memory_space<hbm>> -> memref<1x1x10000xf32, #tpu.memory_space<hbm>>
      %dma_wait3A_81 = tpu.memref_squeeze %dma_wait3A_80 : memref<1x1x10000xf32, #tpu.memory_space<hbm>> -> memref<10000xf32, #tpu.memory_space<hbm>>
      %dma_wait3A_82 = arith.constant 0 : i32
      %dma_wait3A_83 = tpu.memref_slice %arg5[%arg0, %add3A_53, %dma_wait3A_82] : memref<2x128x10000xf32, #tpu.memory_space<hbm>> -> memref<1x1x10000xf32, #tpu.memory_space<hbm>>
      %dma_wait3A_84 = tpu.memref_squeeze %dma_wait3A_83 : memref<1x1x10000xf32, #tpu.memory_space<hbm>> -> memref<10000xf32, #tpu.memory_space<hbm>>
      tpu.wait_dma2 semaphore(%run_scoped3A : memref<!tpu.dma_semaphore, #tpu.memory_space<semaphore_mem>>) src(%arg13 : memref<10000xf32, #tpu.memory_space<vmem>>) dst(%dma_wait3A_84 : memref<10000xf32, #tpu.memory_space<hbm>>)
      tpu.yield
    }) : () -> ()
    %mul3A_54 = arith.constant 4 : i32
    %mul3A_55 = arith.muli %mul3A_54, %arg1 : i32
    %add3A_56 = arith.constant 2 : i32
    %add3A_57 = arith.addi %mul3A_55, %add3A_56 : i32
    "tpu.region"() ({
      %run_scoped3A = tpu.sem_alloc : memref<!tpu.dma_semaphore, #tpu.memory_space<semaphore_mem>>
      %dma_start3A_74 = arith.constant 0 : i32
      %dma_start3A_75 = tpu.memref_slice %arg5[%arg0, %add3A_57, %dma_start3A_74] : memref<2x128x10000xf32, #tpu.memory_space<hbm>> -> memref<1x1x10000xf32, #tpu.memory_space<hbm>>
      %dma_start3A_76 = tpu.memref_squeeze %dma_start3A_75 : memref<1x1x10000xf32, #tpu.memory_space<hbm>> -> memref<10000xf32, #tpu.memory_space<hbm>>
      %dma_start3A_77 = arith.constant 0 : i32
      %dma_start3A_78 = tpu.memref_slice %arg5[%arg0, %add3A_57, %dma_start3A_77] : memref<2x128x10000xf32, #tpu.memory_space<hbm>> -> memref<1x1x10000xf32, #tpu.memory_space<hbm>>
      %dma_start3A_79 = tpu.memref_squeeze %dma_start3A_78 : memref<1x1x10000xf32, #tpu.memory_space<hbm>> -> memref<10000xf32, #tpu.memory_space<hbm>>
      tpu.enqueue_dma source(%arg14 : memref<10000xf32, #tpu.memory_space<vmem>>) target(%dma_start3A_79 : memref<10000xf32, #tpu.memory_space<hbm>>) target_semaphore(%run_scoped3A : memref<!tpu.dma_semaphore, #tpu.memory_space<semaphore_mem>>)
      %dma_wait3A = arith.constant 0 : i32
      %dma_wait3A_80 = tpu.memref_slice %arg5[%arg0, %add3A_57, %dma_wait3A] : memref<2x128x10000xf32, #tpu.memory_space<hbm>> -> memref<1x1x10000xf32, #tpu.memory_space<hbm>>
      %dma_wait3A_81 = tpu.memref_squeeze %dma_wait3A_80 : memref<1x1x10000xf32, #tpu.memory_space<hbm>> -> memref<10000xf32, #tpu.memory_space<hbm>>
      %dma_wait3A_82 = arith.constant 0 : i32
      %dma_wait3A_83 = tpu.memref_slice %arg5[%arg0, %add3A_57, %dma_wait3A_82] : memref<2x128x10000xf32, #tpu.memory_space<hbm>> -> memref<1x1x10000xf32, #tpu.memory_space<hbm>>
      %dma_wait3A_84 = tpu.memref_squeeze %dma_wait3A_83 : memref<1x1x10000xf32, #tpu.memory_space<hbm>> -> memref<10000xf32, #tpu.memory_space<hbm>>
      tpu.wait_dma2 semaphore(%run_scoped3A : memref<!tpu.dma_semaphore, #tpu.memory_space<semaphore_mem>>) src(%arg14 : memref<10000xf32, #tpu.memory_space<vmem>>) dst(%dma_wait3A_84 : memref<10000xf32, #tpu.memory_space<hbm>>)
      tpu.yield
    }) : () -> ()
    %mul3A_58 = arith.constant 4 : i32
    %mul3A_59 = arith.muli %mul3A_58, %arg1 : i32
    %add3A_60 = arith.constant 64 : i32
    %add3A_61 = arith.addi %add3A_60, %mul3A_59 : i32
    %add3A_62 = arith.constant 2 : i32
    %add3A_63 = arith.addi %add3A_61, %add3A_62 : i32
    "tpu.region"() ({
      %run_scoped3A = tpu.sem_alloc : memref<!tpu.dma_semaphore, #tpu.memory_space<semaphore_mem>>
      %dma_start3A_74 = arith.constant 0 : i32
      %dma_start3A_75 = tpu.memref_slice %arg5[%arg0, %add3A_63, %dma_start3A_74] : memref<2x128x10000xf32, #tpu.memory_space<hbm>> -> memref<1x1x10000xf32, #tpu.memory_space<hbm>>
      %dma_start3A_76 = tpu.memref_squeeze %dma_start3A_75 : memref<1x1x10000xf32, #tpu.memory_space<hbm>> -> memref<10000xf32, #tpu.memory_space<hbm>>
      %dma_start3A_77 = arith.constant 0 : i32
      %dma_start3A_78 = tpu.memref_slice %arg5[%arg0, %add3A_63, %dma_start3A_77] : memref<2x128x10000xf32, #tpu.memory_space<hbm>> -> memref<1x1x10000xf32, #tpu.memory_space<hbm>>
      %dma_start3A_79 = tpu.memref_squeeze %dma_start3A_78 : memref<1x1x10000xf32, #tpu.memory_space<hbm>> -> memref<10000xf32, #tpu.memory_space<hbm>>
      tpu.enqueue_dma source(%arg15 : memref<10000xf32, #tpu.memory_space<vmem>>) target(%dma_start3A_79 : memref<10000xf32, #tpu.memory_space<hbm>>) target_semaphore(%run_scoped3A : memref<!tpu.dma_semaphore, #tpu.memory_space<semaphore_mem>>)
      %dma_wait3A = arith.constant 0 : i32
      %dma_wait3A_80 = tpu.memref_slice %arg5[%arg0, %add3A_63, %dma_wait3A] : memref<2x128x10000xf32, #tpu.memory_space<hbm>> -> memref<1x1x10000xf32, #tpu.memory_space<hbm>>
      %dma_wait3A_81 = tpu.memref_squeeze %dma_wait3A_80 : memref<1x1x10000xf32, #tpu.memory_space<hbm>> -> memref<10000xf32, #tpu.memory_space<hbm>>
      %dma_wait3A_82 = arith.constant 0 : i32
      %dma_wait3A_83 = tpu.memref_slice %arg5[%arg0, %add3A_63, %dma_wait3A_82] : memref<2x128x10000xf32, #tpu.memory_space<hbm>> -> memref<1x1x10000xf32, #tpu.memory_space<hbm>>
      %dma_wait3A_84 = tpu.memref_squeeze %dma_wait3A_83 : memref<1x1x10000xf32, #tpu.memory_space<hbm>> -> memref<10000xf32, #tpu.memory_space<hbm>>
      tpu.wait_dma2 semaphore(%run_scoped3A : memref<!tpu.dma_semaphore, #tpu.memory_space<semaphore_mem>>) src(%arg15 : memref<10000xf32, #tpu.memory_space<vmem>>) dst(%dma_wait3A_84 : memref<10000xf32, #tpu.memory_space<hbm>>)
      tpu.yield
    }) : () -> ()
    %mul3A_64 = arith.constant 4 : i32
    %mul3A_65 = arith.muli %mul3A_64, %arg1 : i32
    %add3A_66 = arith.constant 3 : i32
    %add3A_67 = arith.addi %mul3A_65, %add3A_66 : i32
    "tpu.region"() ({
      %run_scoped3A = tpu.sem_alloc : memref<!tpu.dma_semaphore, #tpu.memory_space<semaphore_mem>>
      %dma_start3A_74 = arith.constant 0 : i32
      %dma_start3A_75 = tpu.memref_slice %arg5[%arg0, %add3A_67, %dma_start3A_74] : memref<2x128x10000xf32, #tpu.memory_space<hbm>> -> memref<1x1x10000xf32, #tpu.memory_space<hbm>>
      %dma_start3A_76 = tpu.memref_squeeze %dma_start3A_75 : memref<1x1x10000xf32, #tpu.memory_space<hbm>> -> memref<10000xf32, #tpu.memory_space<hbm>>
      %dma_start3A_77 = arith.constant 0 : i32
      %dma_start3A_78 = tpu.memref_slice %arg5[%arg0, %add3A_67, %dma_start3A_77] : memref<2x128x10000xf32, #tpu.memory_space<hbm>> -> memref<1x1x10000xf32, #tpu.memory_space<hbm>>
      %dma_start3A_79 = tpu.memref_squeeze %dma_start3A_78 : memref<1x1x10000xf32, #tpu.memory_space<hbm>> -> memref<10000xf32, #tpu.memory_space<hbm>>
      tpu.enqueue_dma source(%arg16 : memref<10000xf32, #tpu.memory_space<vmem>>) target(%dma_start3A_79 : memref<10000xf32, #tpu.memory_space<hbm>>) target_semaphore(%run_scoped3A : memref<!tpu.dma_semaphore, #tpu.memory_space<semaphore_mem>>)
      %dma_wait3A = arith.constant 0 : i32
      %dma_wait3A_80 = tpu.memref_slice %arg5[%arg0, %add3A_67, %dma_wait3A] : memref<2x128x10000xf32, #tpu.memory_space<hbm>> -> memref<1x1x10000xf32, #tpu.memory_space<hbm>>
      %dma_wait3A_81 = tpu.memref_squeeze %dma_wait3A_80 : memref<1x1x10000xf32, #tpu.memory_space<hbm>> -> memref<10000xf32, #tpu.memory_space<hbm>>
      %dma_wait3A_82 = arith.constant 0 : i32
      %dma_wait3A_83 = tpu.memref_slice %arg5[%arg0, %add3A_67, %dma_wait3A_82] : memref<2x128x10000xf32, #tpu.memory_space<hbm>> -> memref<1x1x10000xf32, #tpu.memory_space<hbm>>
      %dma_wait3A_84 = tpu.memref_squeeze %dma_wait3A_83 : memref<1x1x10000xf32, #tpu.memory_space<hbm>> -> memref<10000xf32, #tpu.memory_space<hbm>>
      tpu.wait_dma2 semaphore(%run_scoped3A : memref<!tpu.dma_semaphore, #tpu.memory_space<semaphore_mem>>) src(%arg16 : memref<10000xf32, #tpu.memory_space<vmem>>) dst(%dma_wait3A_84 : memref<10000xf32, #tpu.memory_space<hbm>>)
      tpu.yield
    }) : () -> ()
    %mul3A_68 = arith.constant 4 : i32
    %mul3A_69 = arith.muli %mul3A_68, %arg1 : i32
    %add3A_70 = arith.constant 64 : i32
    %add3A_71 = arith.addi %add3A_70, %mul3A_69 : i32
    %add3A_72 = arith.constant 3 : i32
    %add3A_73 = arith.addi %add3A_71, %add3A_72 : i32
    "tpu.region"() ({
      %run_scoped3A = tpu.sem_alloc : memref<!tpu.dma_semaphore, #tpu.memory_space<semaphore_mem>>
      %dma_start3A_74 = arith.constant 0 : i32
      %dma_start3A_75 = tpu.memref_slice %arg5[%arg0, %add3A_73, %dma_start3A_74] : memref<2x128x10000xf32, #tpu.memory_space<hbm>> -> memref<1x1x10000xf32, #tpu.memory_space<hbm>>
      %dma_start3A_76 = tpu.memref_squeeze %dma_start3A_75 : memref<1x1x10000xf32, #tpu.memory_space<hbm>> -> memref<10000xf32, #tpu.memory_space<hbm>>
      %dma_start3A_77 = arith.constant 0 : i32
      %dma_start3A_78 = tpu.memref_slice %arg5[%arg0, %add3A_73, %dma_start3A_77] : memref<2x128x10000xf32, #tpu.memory_space<hbm>> -> memref<1x1x10000xf32, #tpu.memory_space<hbm>>
      %dma_start3A_79 = tpu.memref_squeeze %dma_start3A_78 : memref<1x1x10000xf32, #tpu.memory_space<hbm>> -> memref<10000xf32, #tpu.memory_space<hbm>>
      tpu.enqueue_dma source(%arg17 : memref<10000xf32, #tpu.memory_space<vmem>>) target(%dma_start3A_79 : memref<10000xf32, #tpu.memory_space<hbm>>) target_semaphore(%run_scoped3A : memref<!tpu.dma_semaphore, #tpu.memory_space<semaphore_mem>>)
      %dma_wait3A = arith.constant 0 : i32
      %dma_wait3A_80 = tpu.memref_slice %arg5[%arg0, %add3A_73, %dma_wait3A] : memref<2x128x10000xf32, #tpu.memory_space<hbm>> -> memref<1x1x10000xf32, #tpu.memory_space<hbm>>
      %dma_wait3A_81 = tpu.memref_squeeze %dma_wait3A_80 : memref<1x1x10000xf32, #tpu.memory_space<hbm>> -> memref<10000xf32, #tpu.memory_space<hbm>>
      %dma_wait3A_82 = arith.constant 0 : i32
      %dma_wait3A_83 = tpu.memref_slice %arg5[%arg0, %add3A_73, %dma_wait3A_82] : memref<2x128x10000xf32, #tpu.memory_space<hbm>> -> memref<1x1x10000xf32, #tpu.memory_space<hbm>>
      %dma_wait3A_84 = tpu.memref_squeeze %dma_wait3A_83 : memref<1x1x10000xf32, #tpu.memory_space<hbm>> -> memref<10000xf32, #tpu.memory_space<hbm>>
      tpu.wait_dma2 semaphore(%run_scoped3A : memref<!tpu.dma_semaphore, #tpu.memory_space<semaphore_mem>>) src(%arg17 : memref<10000xf32, #tpu.memory_space<vmem>>) dst(%dma_wait3A_84 : memref<10000xf32, #tpu.memory_space<hbm>>)
      tpu.yield
    }) : () -> ()
    return
  }
}

module attributes {stable_mosaic.version = 14 : i64} {
  func.func @_matmul_pack_body(%arg0: memref<10000x128xf32, #tpu.memory_space<vmem>>, %arg1: memref<128x128xf32, #tpu.memory_space<vmem>>, %arg2: memref<128x1xf32, #tpu.memory_space<vmem>>, %arg3: memref<2x320000xi32, #tpu.memory_space<vmem>>, %arg4: memref<64x10000xi32, #tpu.memory_space<vmem>>, %arg5: memref<1x320000xi32, #tpu.memory_space<vmem>>) attributes {dimension_semantics = [], scalar_prefetch = 0 : i64, scratch_operands = 0 : i64, tpu.core_type = #tpu.core_type<tc>} {
    %get3A = arith.constant 0 : index
    %get3A_0 = arith.constant 0 : index
    %get3A_1 = vector.load %arg1[%get3A, %get3A_0] : memref<128x128xf32, #tpu.memory_space<vmem>>, vector<128x128xf32>
    %get3A_2 = arith.constant 0 : index
    %get3A_3 = arith.constant 0 : index
    %get3A_4 = vector.load %arg0[%get3A_2, %get3A_3] : memref<10000x128xf32, #tpu.memory_space<vmem>>, vector<10000x128xf32>
    %dot_general3A = arith.constant dense<0.000000e+00> : vector<128x10000xf32>
    %dot_general3A_5 = tpu.matmul %get3A_1, %get3A_4, %dot_general3A {dimension_numbers = #tpu.dot_dimension_numbers<[1], [1], [0], [0], [0, 0, 1, 0], [], []>, transpose_lhs_hint = false} : vector<128x128xf32>, vector<10000x128xf32>, vector<128x10000xf32> -> vector<128x10000xf32>
    %get3A_6 = arith.constant 0 : index
    %get3A_7 = arith.constant 0 : index
    %get3A_8 = vector.load %arg2[%get3A_6, %get3A_7] : memref<128x1xf32, #tpu.memory_space<vmem>>, vector<128x1xf32>
    %add3A = vector.broadcast %get3A_8 : vector<128x1xf32> to vector<128x10000xf32>
    %add3A_9 = arith.addf %dot_general3A_5, %add3A : vector<128x10000xf32>
    %slice3A = vector.extract_strided_slice %add3A_9 {offsets = [0, 0], sizes = [64, 10000], strides = [1, 1]} : vector<128x10000xf32> to vector<64x10000xf32>
    %slice3A_10 = vector.extract_strided_slice %add3A_9 {offsets = [64, 0], sizes = [64, 10000], strides = [1, 1]} : vector<128x10000xf32> to vector<64x10000xf32>
    %convert_element_type3A = arith.truncf %slice3A : vector<64x10000xf32> to vector<64x10000xbf16>
    %bitcast_convert_type3A = tpu.bitcast %convert_element_type3A : vector<64x10000xbf16> -> vector<64x10000xi16>
    %convert_element_type3A_11 = arith.truncf %slice3A_10 : vector<64x10000xf32> to vector<64x10000xbf16>
    %bitcast_convert_type3A_12 = tpu.bitcast %convert_element_type3A_11 : vector<64x10000xbf16> -> vector<64x10000xi16>
    %convert_element_type3A_13 = arith.extui %bitcast_convert_type3A_12 : vector<64x10000xi16> to vector<64x10000xi32>
    %shift_left3A = arith.constant 16 : i32
    %shift_left3A_14 = vector.broadcast %shift_left3A : i32 to vector<64x10000xi32>
    %shift_left3A_15 = arith.shli %convert_element_type3A_13, %shift_left3A_14 : vector<64x10000xi32>
    %convert_element_type3A_16 = arith.extui %bitcast_convert_type3A : vector<64x10000xi16> to vector<64x10000xi32>
    %or3A = arith.ori %shift_left3A_15, %convert_element_type3A_16 : vector<64x10000xi32>
    %swap3A = arith.constant 0 : index
    %swap3A_17 = arith.constant 0 : index
    %swap3A_18 = vector.load %arg4[%swap3A, %swap3A_17] : memref<64x10000xi32, #tpu.memory_space<vmem>>, vector<64x10000xi32>
    tpu.vector_store %arg4[%swap3A, %swap3A_17], %or3A {strides = array<i32>} : memref<64x10000xi32, #tpu.memory_space<vmem>>, vector<64x10000xi32>,
    %get3A_19 = arith.constant 0 : index
    %get3A_20 = arith.constant 0 : index
    %get3A_21 = vector.load %arg3[%get3A_19, %get3A_20] : memref<2x320000xi32, #tpu.memory_space<vmem>>, vector<1x320000xi32>
    %shift_left3A_22 = arith.constant 14 : i32
    %shift_left3A_23 = vector.broadcast %shift_left3A_22 : i32 to vector<1x320000xi32>
    %shift_left3A_24 = arith.shli %get3A_21, %shift_left3A_23 : vector<1x320000xi32>
    %get3A_25 = arith.constant 1 : index
    %get3A_26 = arith.constant 0 : index
    %get3A_27 = vector.load %arg3[%get3A_25, %get3A_26] : memref<2x320000xi32, #tpu.memory_space<vmem>>, vector<1x320000xi32>
    %add3A_28 = arith.addi %shift_left3A_24, %get3A_27 : vector<1x320000xi32>
    %swap3A_29 = arith.constant 0 : index
    %swap3A_30 = arith.constant 0 : index
    %swap3A_31 = vector.load %arg5[%swap3A_29, %swap3A_30] : memref<1x320000xi32, #tpu.memory_space<vmem>>, vector<1x320000xi32>
    tpu.vector_store %arg5[%swap3A_29, %swap3A_30], %add3A_28 {strides = array<i32>} : memref<1x320000xi32, #tpu.memory_space<vmem>>, vector<1x320000xi32>,
    return
  }
}

module attributes {stable_mosaic.version = 14 : i64} {
  func.func @_add_transpose_body(%arg0: memref<128x10000xf32, #tpu.memory_space<vmem>>, %arg1: memref<128x10000xf32, #tpu.memory_space<vmem>>, %arg2: memref<128x128xf32, #tpu.memory_space<vmem>>, %arg3: memref<10000x128xf32, #tpu.memory_space<vmem>>) attributes {dimension_semantics = [], scalar_prefetch = 0 : i64, scratch_operands = 0 : i64, tpu.core_type = #tpu.core_type<tc>} {
    %get3A = arith.constant 0 : index
    %get3A_0 = arith.constant 0 : index
    %get3A_1 = vector.load %arg0[%get3A, %get3A_0] : memref<128x10000xf32, #tpu.memory_space<vmem>>, vector<128x10000xf32>
    %get3A_2 = arith.constant 0 : index
    %get3A_3 = arith.constant 0 : index
    %get3A_4 = vector.load %arg1[%get3A_2, %get3A_3] : memref<128x10000xf32, #tpu.memory_space<vmem>>, vector<128x10000xf32>
    %add3A = arith.addf %get3A_1, %get3A_4 : vector<128x10000xf32>
    %get3A_5 = arith.constant 0 : index
    %get3A_6 = arith.constant 0 : index
    %get3A_7 = vector.load %arg2[%get3A_5, %get3A_6] : memref<128x128xf32, #tpu.memory_space<vmem>>, vector<128x128xf32>
    %dot_general3A = arith.constant dense<0.000000e+00> : vector<10000x128xf32>
    %dot_general3A_8 = tpu.matmul %add3A, %get3A_7, %dot_general3A {dimension_numbers = #tpu.dot_dimension_numbers<[0], [0], [1], [1], [0, 1, 1, 1], [], []>, transpose_lhs_hint = false} : vector<128x10000xf32>, vector<128x128xf32>, vector<10000x128xf32> -> vector<10000x128xf32>
    %swap3A = arith.constant 0 : index
    %swap3A_9 = arith.constant 0 : index
    %swap3A_10 = vector.load %arg3[%swap3A, %swap3A_9] : memref<10000x128xf32, #tpu.memory_space<vmem>>, vector<10000x128xf32>
    tpu.vector_store %arg3[%swap3A, %swap3A_9], %dot_general3A_8 {strides = array<i32>} : memref<10000x128xf32, #tpu.memory_space<vmem>>, vector<10000x128xf32>,
    return
  }
}

</mosaic_0001>

<sc_bundles>
// kernel: kernel.5.cloned.1.call-start
scs
__scs_entry_jumppad:
0x0: {  	(pc) =	sbr.rel $0x88, $3  }
0x1: {  	(tag) =	ssettag $0x0;
	lr =	simm.s32 $0x1  }
0x2: {  	[smem:$0x3F9C] =	sst lr;
	_ =	strace $0xD0000000  }
0x3: {  	_ = 	snop  }
0x4: {  	_ = 	snop  }
0x5: {  	_ = 	snop  }
0x6: {  	_ = 	snop  }
0x7: {  	_ = 	snop  }
__scs_overlays_trampoline_lowered:
0x8: {  	[smem:$0x3FAB] =	sst s0  }
0x9: {  	[smem:$0x3FAC] =	sst s1  }
0xa: {  	[smem:$0x3FAD] =	sst s2  }
0xb: {  	[smem:$0x3FAE] =	sst s3  }
0xc: {  	[smem:$0x3FAF] =	sst s4  }
0xd: {  	[smem:$0x3FB0] =	sst s5  }
0xe: {  	[smem:$0x3FB1] =	sst s6  }
0xf: {  	[smem:$0x3FB2] =	sst s7  }
0x10: {  	[smem:$0x3FB3] =	sst s8  }
0x11: {  	[smem:$0x3FB4] =	sst s9;
	s0 =	simm.s32 @!p0 $0x0  }
0x12: {  	s1 =	sld [smem:$0x3F9A];
	s0 =	simm.s32 @p0 $0x1  }
0x13: {  	[smem:$0x3FB5] =	sst s0;
	s0 =	simm.s32 @!p1 $0x0  }
0x14: {  	s2 =	sld [smem:$0x3F99];
	s0 =	simm.s32 @p1 $0x1  }
0x15: {  	[smem:$0x3FB6] =	sst s0;
	s0 =	simm.s32 @!p2 $0x0  }
0x16: {  	s3 =	sld [smem:$0x3FDB];
	s0 =	simm.s32 @p2 $0x1  }
0x17: {  	s4 =	simm.s32 $0x1BF5;
	[smem:$0x3FB8] =	sst s0  }
0x18: {  	s0 =	sld [smem:$0x3F9B];
	_ =	swait.ge [sflag:s4], $0x0  }
0x19: {  	s7 =	sld [smem:$0x3F9C]  }
0x1a: {  	s8 =	sadd.s32 $0xFFFFE003, lr  }
0x1b: {  	s9 =	sadd.s32 $0xFFFFFEF7, lr;
	s5 =	simm.s32 $0xFFFFFFFF;
	p2 =	slt.u32 s8, $0xFFFFF086  }
0x1c: {  	p1 =	slt.u32 s9, $0xF7A;
	s5 =	simm.s32 @!p2 $0x0  }
0x1d: {  	s5 =	simm.s32 @p1 $0x1;
	p0 =	seq.s32 s7, s2  }
0x1e: {  	s7 =	smul.u32 @!p0 $0xF7A, s2;
	p2 =	seq.s32 @!p0 s5, $0x0  }
0x1f: {  	s9 =	smul.u32 $0xF7A, s1;
	s8 =	simm.s32 @!p0 $0x1BF5;
	p2 =	por !p2, p0  }
0x20: {  	[sflag:s8] =	ssyncset.s32 @!p0 $0xFFFFF086;
	s6 =	sadd.s32 @!p0 s3, s7;
	s7 =	simm.s32 @!p0 $0x108  }
0x21: {  	s3 =	sadd.s32 s3, s9;
	s6 =	sadd.s32 @!p0 $0x88, s6;
	s7 =	simm.s32 @p2 $0x1082  }
0x22: {  	[simem:s7], [sflag:s8] =	dma.local @!p0 [hbm:s6], $0xF7A  }
0x23: {  	s9 =	sor.u32 $0xD0000000, s2;
	s6 =	simm.s32 $0x108;
	_ =	swait.ge @!p0 [sflag:s8], $0x0  }
0x24: {  	s3 =	sadd.s32 $0x88, s3;
	s6 =	simm.s32 @!p1 $0x1082;
	[sflag:s4] =	ssyncset.s32 $0xFFFFF086  }
0x25: {  	[simem:s6], [sflag:s4] =	dma.local [hbm:s3], $0xF7A  }
0x26: {  	[smem:$0x3F9C] =	sst s1;
	(tag) =	ssettag s2;
	_ =	strace s9  }
0x27: {  	s1 =	sld [smem:$0x3FAC]  }
0x28: {  	s2 =	sld [smem:$0x3FAD]  }
0x29: {  	s4 =	sld [smem:$0x3FAF]  }
0x2a: {  	p0 =	seq.s32 s5, $0x0;
	s5 =	sld [smem:$0x3FB0]  }
0x2b: {  	s6 =	sld [smem:$0x3FB1]  }
0x2c: {  	s7 =	sld [smem:$0x3FB2]  }
0x2d: {  	s3 =	simm.s32 $0x108;
	s8 =	sld [smem:$0x3FB3]  }
0x2e: {  	s3 =	simm.s32 @!p0 $0x1082;
	s9 =	sld [smem:$0x3FB4]  }
0x2f: {  	lr =	sadd.s32 s0, s3;
	s0 =	sld [smem:$0x3FAB]  }
0x30: {  	s3 =	sld [smem:$0x3FAE]  }
0x31: {  	[smem:$0x3FB7] =	sst s10  }
0x32: {  	s10 =	sld [smem:$0x3FB5];
	_ =	sdelay $0x3  }
0x33: {  	p0 =	seq.s32 s10, $0x1;
	s10 =	sld [smem:$0x3FB7];
	_ =	sdelay $0x3  }
0x34: {  	[smem:$0x3FB7] =	sst s10  }
0x35: {  	s10 =	sld [smem:$0x3FB6];
	_ =	sdelay $0x3  }
0x36: {  	p1 =	seq.s32 s10, $0x1;
	s10 =	sld [smem:$0x3FB7];
	_ =	sdelay $0x3  }
0x37: {  	[smem:$0x3FB7] =	sst s10  }
0x38: {  	s10 =	sld [smem:$0x3FB8]  }
0x39: {  	_ = 	snop;
	(pc) =	sbr.ind lr, $3  }
0x3a: {  	_ = 	snop  }
0x3b: {  	_ = 	snop  }
0x3c: {  	p2 =	seq.s32 s10, $0x1;
	s10 =	sld [smem:$0x3FB7]  }
0x3d: {  	_ =	shalt  }
0x3e: {  	_ =	shalt  }
0x3f: {  	_ =	shalt  }
0x40: {  	_ =	shalt  }
0x41: {  	_ =	shalt  }
0x42: {  	_ =	shalt  }
0x43: {  	_ =	shalt  }
0x44: {  	_ =	shalt  }
0x45: {  	_ =	shalt  }
0x46: {  	_ =	shalt  }
0x47: {  	_ =	shalt  }
0x48: {  	_ =	shalt  }
0x49: {  	_ =	shalt  }
0x4a: {  	_ =	shalt  }
0x4b: {  	_ =	shalt  }
0x4c: {  	_ =	shalt  }
0x4d: {  	_ =	shalt  }
0x4e: {  	_ =	shalt  }
0x4f: {  	_ =	shalt  }
0x50: {  	_ =	shalt  }
0x51: {  	_ =	shalt  }
0x52: {  	_ =	shalt  }
0x53: {  	_ =	shalt  }
0x54: {  	_ =	shalt  }
0x55: {  	_ =	shalt  }
0x56: {  	_ =	shalt  }
0x57: {  	_ =	shalt  }
0x58: {  	_ =	shalt  }
0x59: {  	_ =	shalt  }
0x5a: {  	_ =	shalt  }
0x5b: {  	_ =	shalt  }
0x5c: {  	_ =	shalt  }
0x5d: {  	_ =	shalt  }
0x5e: {  	_ =	shalt  }
0x5f: {  	_ =	shalt  }
0x60: {  	_ =	shalt  }
0x61: {  	_ =	shalt  }
0x62: {  	_ =	shalt  }
0x63: {  	_ =	shalt  }
0x64: {  	_ =	shalt  }
0x65: {  	_ =	shalt  }
0x66: {  	_ =	shalt  }
0x67: {  	_ =	shalt  }
0x68: {  	_ =	shalt  }
0x69: {  	_ =	shalt  }
0x6a: {  	_ =	shalt  }
0x6b: {  	_ =	shalt  }
0x6c: {  	_ =	shalt  }
0x6d: {  	_ =	shalt  }
0x6e: {  	_ =	shalt  }
0x6f: {  	_ =	shalt  }
0x70: {  	_ =	shalt  }
0x71: {  	_ =	shalt  }
0x72: {  	_ =	shalt  }
0x73: {  	_ =	shalt  }
0x74: {  	_ =	shalt  }
0x75: {  	_ =	shalt  }
0x76: {  	_ =	shalt  }
0x77: {  	_ =	shalt  }
0x78: {  	_ =	shalt  }
0x79: {  	_ =	shalt  }
0x7a: {  	_ =	shalt  }
0x7b: {  	_ =	shalt  }
0x7c: {  	_ =	shalt  }
0x7d: {  	_ =	shalt  }
0x7e: {  	_ =	shalt  }
0x7f: {  	_ =	shalt  }
0x80: {  	_ =	shalt  }
0x81: {  	_ =	shalt  }
0x82: {  	_ =	shalt  }
0x83: {  	_ =	shalt  }
0x84: {  	_ =	shalt  }
0x85: {  	_ =	shalt  }
0x86: {  	_ =	shalt  }
0x87: {  	_ =	shalt  }
.Lfunc_end0:
.L_simem_size_0:
called_computation_lowered:
.L_overlay_start_0:
0x88: {  	s2 =	sld [smem:$0x3FD9]  }
0x89: {  	s3 =	sld [smem:$0x3FFE];
	_ =	sdelay $0x1  }
0x8a: {  	s1 =	srdreg.scid  }
0x8b: {  	s0 =	sand.u32 $0x1, s1  }
0x8c: {  	s17 =	sshll.u32 s0, $0xA;
	s2 =	sadd.s32 s3, s2  }
0x8d: {  	s2 =	sadd.s32 s2, s17  }
0x8e: {  	[smem:$0x3FC3] =	sst s2  }
0x8f: {  	_ = 	snop  }
0x90: {  	s2 =	sld [smem:$0x3FC7]  }
0x91: {  	s18 =	sld [smem:$0x3FD0];
	(tm) =	ssettm $0x1  }
0x92: {  	s4 =	sld [smem:$0x3FFB];
	_ =	sdelay $0x3  }
0x93: {  	_ =	strace s4  }
0x94: {  	s4 =	sld [smem:$0x3FFC];
	_ =	sdelay $0x3  }
0x95: {  	_ =	strace s4  }
0x96: {  	s4 =	sld [smem:$0x3FFD];
	_ =	sdelay $0x3  }
0x97: {  	_ =	strace s4  }
0x98: {  	_ =	strace $0x8FFFFFFF  }
0x99: {  	s19 =	sld [smem:$0x3FDB];
	_ =	sdelay $0x1  }
0x9a: {  	s5 =	simm.s32 $_scs_section_size  }
0x9b: {  	s6 =	simm.s32 $_size__tile_overlayer_lowered;
	s7 =	simm.s32 $_tile_overlayer_lowered  }
0x9c: {  	s22 =	simm.s32 $0x1BFF;
	s21 =	sshll.u32 s7, $0x1;
	s4 =	sadd.s32 s5, s19  }
0x9d: {  	s8 =	simm.s32 $0x0;
	s20 =	sshll.u32 s6, $0x1;
	s6 =	sadd.s32 s21, s4  }
0x9e: {  	[timem:s8], [sflag:s22] =	dma.local [hbm:s6], s20  }
0x9f: {  	_ =	swait.ge [sflag:s22], s20  }
0xa0: {  	s5 =	ssub.s32 $0x0, s20;
	[sflag:s22] =	ssyncset.done $0x0  }
0xa1: {  	[sflag:s22] =	ssyncadd.s32 s5;
	_ =	sdelay $0x1  }
0xa2: {  	s23 =	simm.s32 $0x1B8B  }
0xa3: {  	_ =	swait.ge [sflag:s23], $0x1  }
0xa4: {  	[sflag:s23] =	ssyncset.done $0x0  }
0xa5: {  	s25 =	simm.s32 $0x1B8E;
	s24 =	sld [smem:$0x3FFE];
	[sflag:s23] =	ssyncadd.s32 $0xFFFFFFFF  }
0xa6: {  	s26 =	simm.s32 $execute0_lowered;
	[smem:$0x3FD2] =	sst s25  }
0xa7: {  	s6 =	sshll.u32 s26, $0x1;
	_ =	strace $0x80000046;
	[dreg:$0x1] =	wrdreg $0xFFFFFFFF  }
0xa8: {  	s28 =	simm.s32 $_size_execute0_lowered;
	s4 =	sadd.s32 s4, s6;
	[dreg:$0x0] =	wrdreg $0x0  }
0xa9: {  	s6 =	sshll.u32 s28, $0x1;
	[dreg:$0x2] =	wrdreg s4  }
0xaa: {  	[dreg:$0x3] =	wrdreg s6  }
0xab: {  	[dreg:$0x4] =	wrdreg $0xC0  }
0xac: {  	_ =	task [dreg:s8], $0x5FFFF  }
0xad: {  	[dreg:$0x1] =	wrdreg $0xFFFFFFFF  }
0xae: {  	[dreg:$0x0] =	wrdreg $0x60  }
0xaf: {  	[dreg:$0x2] =	wrdreg s18  }
0xb0: {  	[dreg:$0x3] =	wrdreg s24  }
0xb1: {  	[dreg:$0x4] =	wrdreg s2  }
0xb2: {  	[dreg:$0x5] =	wrdreg $0x9  }
0xb3: {  	_ =	task.clear_ibuf [dreg:s8], $0x6FFFF;
	_ =	strace $0x90000046  }
0xb4: {  	s29 =	simm.s32 $0x9;
	_ =	strace $0x80000048  }
0xb5: {  	_ =	swait.ge [sflag:s29], $0x1  }
0xb6: {  	[sflag:s29] =	ssyncadd.s32 $0xFFFFFFFF  }
0xb7: {  	_ =	strace $0x90000048  }
0xb8: {  	_ =	sfence  }
0xb9: {  	s30 =	sld [smem:$0x0];
	_ =	sdelay $0x2  }
0xba: {  	s31 =	sshll.u32 s1, $0xD;
	s1 =	sshrl.u32 s1, $0x2  }
0xbb: {  	s3 =	sand.u32 $0x4000, s31;
	s1 =	sadd.s32 s1, s30  }
0xbc: {  	s0 =	sor.u32 s3, s0;
	s1 =	sshll.u32 s1, $0x11  }
0xbd: {  	s0 =	sor.u32 s1, s0  }
0xbe: {  	s0 =	sadd.s32 $0x8F2B, s0  }
0xbf: {  	[sflag:s0] =	ssyncadd.remote.s32 $0x1  }
0xc0: {  	_ =	sfence.sel $0xFFFF  }
0xc1: {  	[dreg:$0x0] =	wrdreg $0xFFFFFFFF;
	(pc) =	sbr.abs _section_cstart, $3  }
0xc2: {  	[dreg:$0x1] =	wrdreg $0xFFFFFFFF  }
0xc3: {  	_ =	task.clear_ibuf [dreg:s8], $0x2FFFF;
	_ =	strace $0x9FFFFFFF  }
0xc4: {  	(tm) =	ssettm $0x7FFFFFFF  }
0xc5: {  	_ =	shalt  }
tec
execute0_lowered:
.L_overlay_start_1:
0x0: {  	(tag) =	ssettag $0x1  }
0x1: {  	s5 =	rddreg [dreg:$0x0]  }
0x2: {  	s0 =	rddreg [dreg:$0x1]  }
0x3: {  	s1 =	rddreg [dreg:$0x2];
	s2 =	simm.s32 $0x0;
	s3 =	srdreg.scid  }
0x4: {  	s11 =	stileid.u32;
	s28 =	simm.s32 $0x1ED80;
	s31 =	simm.s32 $0x3  }
0x5: {  	[smem:$0x7FF] =	sst s2;
	s6 =	sand.u32 $0x1, s3;
	s4 =	sadd.s32 $0xC00, s0  }
0x6: {  	s0 =	sadd.s32 $0xAA00, s0;
	s17 =	sshrl.u32 s11, $0x1;
	s10 =	sshll.u32 s11, $0x9  }
0x7: {  	s11 =	sshll.u32 s11, $0x2;
	_ =	strace $0x80000047;
	s7 =	smul.u32 $0x27100, s6  }
0x8: {  	s3 =	ssub.s32 $0x2, s6;
	s10 =	sand.u32 $0x200, s10;
	s21 =	sor.u32 $0x41, s11  }
0x9: {  	s6 =	smul.u32 $0x13C000, s6;
	s8 =	sshrl.u32 s3, $0x1;
	s16 =	sshrl.u32 s7, $0x3  }
0xa: {  	s15 =	sor.u32 $0x100, s10;
	s20 =	sor.u32 $0x180, s10;
	s9 =	sadd.s32 s4, s16  }
0xb: {  	s23 =	sshll.u32 s21, $0x7;
	s12 =	sadd.s32 s1, s16;
	[dreg:$0x4] =	wrdreg s9  }
0xc: {  	s3 =	ssub.s32 s3, s8;
	s8 =	sadd.s32 $0xC8, s16;
	[dreg:$0x5] =	wrdreg s12  }
0xd: {  	s9 =	smul.u32 $0x13C00, s17;
	s12 =	sor.u32 $0x80, s10;
	s26 =	sadd.s32 s4, s8  }
0xe: {  	s17 =	sshrl.u32 s21, $0x3;
	s8 =	sadd.s32 s1, s8;
	[dreg:$0xa] =	wrdreg s26  }
0xf: {  	s17 =	smul.u32 $0x13C00, s17;
	[dreg:$0xb] =	wrdreg s8;
	s8 =	simm.s32 $0x11480  }
0x10: {  	s13 =	sor.u32 s10, s9;
	s14 =	sor.u32 s9, s12;
	s16 =	sor.u32 s9, s15  }
0x11: {  	s22 =	sor.u32 s9, s20;
	s9 =	sadd.s32 s6, s9;
	s13 =	sshrl.u32 s13, $0x3  }
0x12: {  	s14 =	sshrl.u32 s14, $0x3;
	s19 =	sshrl.u32 s16, $0x3;
	s16 =	sshrl.u32 s22, $0x3  }
0x13: {  	s25 =	sadd.s32 s6, s17;
	s17 =	sor.u32 s10, s9;
	s12 =	sor.u32 s12, s9  }
0x14: {  	s15 =	sor.u32 s15, s9;
	s9 =	sor.u32 s20, s9;
	s13 =	sadd.s32 s5, s13  }
0x15: {  	s10 =	simm.s32 $0x16380;
	s18 =	sadd.s32 s5, s14;
	[dreg:$0x6] =	wrdreg s13  }
0x16: {  	s20 =	sshrl.u32 s17, $0x3;
	[dreg:$0x7] =	wrdreg s18;
	s13 =	sadd.s32 s5, s19  }
0x17: {  	s18 =	sor.u32 $0x42, s11;
	s5 =	sadd.s32 s5, s16;
	[dreg:$0x8] =	wrdreg s13  }
0x18: {  	s11 =	sor.u32 $0x43, s11;
	s19 =	sadd.s32 $0x9E000, s17;
	[dreg:$0x9] =	wrdreg s5  }
0x19: {  	s24 =	sshrl.u32 s18, $0x3;
	s5 =	sand.u32 $0x280, s23;
	s29 =	sshll.u32 s18, $0x7  }
0x1a: {  	s30 =	sshrl.u32 s11, $0x3;
	s13 =	sadd.s32 $0xC80, s7;
	s21 =	sshrl.u32 s19, $0x3  }
0x1b: {  	s23 =	sshrl.u32 s12, $0x3;
	s19 =	simm.s32 $0x80;
	s12 =	simm.s32 $0x1B280  }
0x1c: {  	s14 =	smul.u32 $0x13C00, s24;
	s5 =	sor.u32 s5, s25;
	s16 =	sand.u32 $0x300, s29  }
0x1d: {  	s18 =	smul.u32 $0x13C00, s30;
	s22 =	sadd.s32 s0, s21;
	s24 =	sshll.u32 s11, $0x7  }
0x1e: {  	s25 =	sshrl.u32 s15, $0x3;
	s29 =	sshrl.u32 s9, $0x3;
	s30 =	smax.u32 s3, $0x1  }
0x1f: {  	s3 =	simm.s32 $0x4F00;
	s9 =	simm.s32 $0x13C00;
	s11 =	simm.s32 $0x18B00  }
0x20: {  	s15 =	simm.s32 $0x2;
	[dreg:$0xd] =	wrdreg s22;
	s5 =	sshrl.u32 s5, $0x3  }
0x21: {  	[dreg:$0x14] =	wrdreg s30;
	s14 =	sadd.s32 s6, s14;
	s6 =	sadd.s32 s6, s18  }
0x22: {  	s5 =	sadd.s32 s0, s5;
	s16 =	sor.u32 s16, s14;
	s14 =	sadd.s32 $0x12C0, s7  }
0x23: {  	s7 =	sadd.s32 s0, s20;
	[dreg:$0xf] =	wrdreg s5;
	s5 =	sadd.s32 s0, s25  }
0x24: {  	s20 =	simm.s32 $0x400;
	s25 =	simm.s32 $0x1;
	[dreg:$0xc] =	wrdreg s7  }
0x25: {  	s7 =	sadd.s32 s0, s23;
	[dreg:$0x10] =	wrdreg s5;
	s26 =	sshrl.u32 s16, $0x3  }
0x26: {  	s16 =	simm.s32 $0x0;
	[dreg:$0xe] =	wrdreg s7;
	s7 =	sand.u32 $0x380, s24  }
.Ltmp0:
0x27: {  	s5 =	sadd.s32 s0, s26;
	s26 =	simm.s32 $0x1E700;
	(pc) =	sbr.rel .LBB2_1-.Ltmp0, $4  }
0x28: {  	s24 =	simm.s32 $0x7680;
	s6 =	sor.u32 s7, s6;
	[dreg:$0x11] =	wrdreg s5  }
0x29: {  	s5 =	sadd.s32 s0, s29;
	s7 =	simm.s32 $0xED00;
	s6 =	sshrl.u32 s6, $0x3  }
0x2a: {  	[dreg:$0x12] =	wrdreg s5;
	s5 =	simm.s32 $0x9E00;
	s0 =	sadd.s32 s0, s6  }
0x2b: {  	v0 =	vimm.f32 $0.0e+00;
	s6 =	simm.s32 $0xC580;
	[dreg:$0x13] =	wrdreg s0;
	s0 =	simm.s32 $0x2780  }
.LBB2_10:
0x2c: {  	s17 =	rddreg [dreg:$0xc];
	s19 =	simm.s32 $0x80;
	s20 =	simm.s32 $0x400  }
0x2d: {  	[hbm4b:s17+s19] =	stream.strided.scatter [tilespmem:s5], [sflag:$0x3], $0x2780, s20, s19, $0x38;
	[tilespmem:$0x1F400] =	vst v63  }
0x2e: {  	_ =	swait.ge [sflag:s31], $0x2780  }
0x2f: {  	[sflag:s31] =	ssyncset.done $0x0  }
0x30: {  	s29 =	rddreg [dreg:$0xd];
	[sflag:s31] =	ssyncadd.s32 $0xFFFFD880  }
0x31: {  	[hbm4b:s29+s19] =	stream.strided.scatter [tilespmem:s6], [sflag:$0x3], $0x2780, s20, s19, $0x38;
	[tilespmem:$0x1F400] =	vst v63  }
0x32: {  	_ =	swait.ge [sflag:s31], $0x2780  }
0x33: {  	[sflag:s31] =	ssyncset.done $0x0  }
0x34: {  	s30 =	rddreg [dreg:$0xe];
	[sflag:s31] =	ssyncadd.s32 $0xFFFFD880  }
0x35: {  	[hbm4b:s30+s19] =	stream.strided.scatter [tilespmem:s7], [sflag:$0x3], $0x2780, s20, s19, $0x38;
	[tilespmem:$0x1F400] =	vst v63  }
0x36: {  	_ =	swait.ge [sflag:s31], $0x2780  }
0x37: {  	[sflag:s31] =	ssyncset.done $0x0  }
0x38: {  	s18 =	rddreg [dreg:$0xf];
	[sflag:s31] =	ssyncadd.s32 $0xFFFFD880  }
0x39: {  	[hbm4b:s18+s19] =	stream.strided.scatter [tilespmem:s8], [sflag:$0x3], $0x2780, s20, s19, $0x38;
	[tilespmem:$0x1F400] =	vst v63  }
0x3a: {  	_ =	swait.ge [sflag:s31], $0x2780  }
0x3b: {  	[sflag:s31] =	ssyncset.done $0x0  }
0x3c: {  	s21 =	rddreg [dreg:$0x10];
	[sflag:s31] =	ssyncadd.s32 $0xFFFFD880  }
0x3d: {  	[hbm4b:s21+s19] =	stream.strided.scatter [tilespmem:s9], [sflag:$0x3], $0x2780, s20, s19, $0x38;
	[tilespmem:$0x1F400] =	vst v63  }
0x3e: {  	_ =	swait.ge [sflag:s31], $0x2780  }
0x3f: {  	[sflag:s31] =	ssyncset.done $0x0  }
0x40: {  	s22 =	rddreg [dreg:$0x11];
	[sflag:s31] =	ssyncadd.s32 $0xFFFFD880  }
0x41: {  	[hbm4b:s22+s19] =	stream.strided.scatter [tilespmem:s10], [sflag:$0x3], $0x2780, s20, s19, $0x38;
	[tilespmem:$0x1F400] =	vst v63  }
0x42: {  	_ =	swait.ge [sflag:s31], $0x2780  }
0x43: {  	[sflag:s31] =	ssyncset.done $0x0  }
0x44: {  	s23 =	rddreg [dreg:$0x12];
	[sflag:s31] =	ssyncadd.s32 $0xFFFFD880  }
0x45: {  	[hbm4b:s23+s19] =	stream.strided.scatter [tilespmem:s11], [sflag:$0x3], $0x2780, s20, s19, $0x38;
	[tilespmem:$0x1F400] =	vst v63  }
0x46: {  	_ =	swait.ge [sflag:s31], $0x2780  }
0x47: {  	[sflag:s31] =	ssyncset.done $0x0  }
0x48: {  	s29 =	rddreg [dreg:$0x13];
	[sflag:s31] =	ssyncadd.s32 $0xFFFFD880  }
0x49: {  	[hbm4b:s29+s19] =	stream.strided.scatter [tilespmem:s12], [sflag:$0x3], $0x2780, s20, s19, $0x38;
	[tilespmem:$0x1F400] =	vst v63  }
0x4a: {  	_ =	swait.ge [sflag:s31], $0x2780  }
0x4b: {  	s16 =	sadd.s32 $0x1, s16;
	s30 =	rddreg [dreg:$0x14]  }
0x4c: {  	p0 =	sne.s32 s16, s30  }
.Ltmp1:
0x4d: {  	_ = 	snop;
	(pc) =	sbr.rel @!p0 .LBB2_11-.Ltmp1, $3  }
0x4e: {  	_ =	sdelay $0x1  }
0x4f: {  	[sflag:s31] =	ssyncset.done $0x0  }
0x50: {  	[sflag:s31] =	ssyncadd.s32 $0xFFFFD880  }
.LBB2_1:
0x51: {  	s17 =	rddreg [dreg:$0x4];
	s18 =	simm.s32 $0x1DA00  }
0x52: {  	[tilespmem:s18], [sflag:$0x1] =	stream.linear.gather [hbm4b:s17+s2], $0x640, $0x38;
	[tilespmem:$0x1F400] =	vst v63  }
0x53: {  	s21 =	simm.s32 $0x1E080;
	s18 =	rddreg [dreg:$0x5]  }
0x54: {  	[tilespmem:s21], [sflag:$0x1] =	stream.linear.gather [hbm4b:s18+s2], $0x640, $0x38;
	[tilespmem:$0x1F400] =	vst v63  }
0x55: {  	s22 =	rddreg [dreg:$0xa]  }
0x56: {  	[tilespmem:s26], [sflag:$0x2] =	stream.linear.gather [hbm4b:s22+s2], $0x640, $0x38;
	[tilespmem:$0x1F400] =	vst v63  }
0x57: {  	s23 =	rddreg [dreg:$0xb]  }
0x58: {  	[tilespmem:s28], [sflag:$0x2] =	stream.linear.gather [hbm4b:s23+s2], $0x640, $0x38;
	[tilespmem:$0x1F400] =	vst v63  }
0x59: {  	s18 =	rddreg [dreg:$0x6]  }
0x5a: {  	[tilespmem:s2], [sflag:$0x3] =	stream.strided.gather [hbm4b:s18+s19], $0x2780, s20, s19, $0x38;
	[tilespmem:$0x1F400] =	vst v63  }
0x5b: {  	_ =	swait.ge [sflag:s31], $0x2780  }
0x5c: {  	[sflag:s31] =	ssyncset.done $0x0  }
0x5d: {  	s21 =	rddreg [dreg:$0x7];
	[sflag:s31] =	ssyncadd.s32 $0xFFFFD880  }
0x5e: {  	[tilespmem:s0], [sflag:$0x3] =	stream.strided.gather [hbm4b:s21+s19], $0x2780, s20, s19, $0x38;
	[tilespmem:$0x1F400] =	vst v63  }
0x5f: {  	_ =	swait.ge [sflag:s31], $0x2780  }
0x60: {  	[sflag:s31] =	ssyncset.done $0x0  }
0x61: {  	s22 =	rddreg [dreg:$0x8];
	[sflag:s31] =	ssyncadd.s32 $0xFFFFD880  }
0x62: {  	[tilespmem:s3], [sflag:$0x3] =	stream.strided.gather [hbm4b:s22+s19], $0x2780, s20, s19, $0x38;
	[tilespmem:$0x1F400] =	vst v63  }
0x63: {  	_ =	swait.ge [sflag:s31], $0x2780  }
0x64: {  	[sflag:s31] =	ssyncset.done $0x0  }
0x65: {  	s23 =	rddreg [dreg:$0x9];
	[sflag:s31] =	ssyncadd.s32 $0xFFFFD880  }
0x66: {  	[tilespmem:s24], [sflag:$0x3] =	stream.strided.gather [hbm4b:s23+s19], $0x2780, s20, s19, $0x38;
	[tilespmem:$0x1F400] =	vst v63  }
0x67: {  	_ =	swait.ge [sflag:s31], $0x2780  }
0x68: {  	[sflag:s31] =	ssyncset.done $0x0  }
0x69: {  	s29 =	simm.s32 $0x9E20;
	[sflag:s31] =	ssyncadd.s32 $0xFFFFD880  }
0x6a: {  	[tilespmem:s29+$0xFFFFFFF0] =	vst v0  }
0x6b: {  	[tilespmem:s29+$0x0] =	vst v0  }
0x6c: {  	[tilespmem:s29+$0x10] =	vst v0  }
0x6d: {  	s17 =	simm.s32 $0xC5A0;
	[tilespmem:s29+$0xFFFFFFE0] =	vst v0  }
0x6e: {  	[tilespmem:s17+$0xFFFFFFF0] =	vst v0  }
0x6f: {  	[tilespmem:s17+$0x0] =	vst v0  }
0x70: {  	[tilespmem:s17+$0x10] =	vst v0  }
0x71: {  	s18 =	simm.s32 $0xED20;
	[tilespmem:s17+$0xFFFFFFE0] =	vst v0  }
0x72: {  	[tilespmem:s18+$0xFFFFFFF0] =	vst v0  }
0x73: {  	[tilespmem:s18+$0x0] =	vst v0  }
0x74: {  	[tilespmem:s18+$0x10] =	vst v0  }
0x75: {  	s19 =	simm.s32 $0x114A0;
	[tilespmem:s18+$0xFFFFFFE0] =	vst v0  }
0x76: {  	[tilespmem:s19+$0xFFFFFFF0] =	vst v0  }
0x77: {  	[tilespmem:s19+$0x0] =	vst v0  }
0x78: {  	[tilespmem:s19+$0x10] =	vst v0  }
0x79: {  	s20 =	simm.s32 $0x13C20;
	[tilespmem:s19+$0xFFFFFFE0] =	vst v0  }
0x7a: {  	[tilespmem:s20+$0xFFFFFFF0] =	vst v0  }
0x7b: {  	[tilespmem:s20+$0x0] =	vst v0  }
0x7c: {  	[tilespmem:s20+$0x10] =	vst v0  }
0x7d: {  	s21 =	simm.s32 $0x163A0;
	[tilespmem:s20+$0xFFFFFFE0] =	vst v0  }
0x7e: {  	[tilespmem:s21+$0xFFFFFFF0] =	vst v0  }
0x7f: {  	[tilespmem:s21+$0x0] =	vst v0  }
0x80: {  	[tilespmem:s21+$0x10] =	vst v0  }
0x81: {  	s22 =	simm.s32 $0x18B20;
	[tilespmem:s21+$0xFFFFFFE0] =	vst v0  }
0x82: {  	[tilespmem:s22+$0xFFFFFFF0] =	vst v0  }
0x83: {  	[tilespmem:s22+$0x0] =	vst v0  }
0x84: {  	[tilespmem:s22+$0x10] =	vst v0  }
0x85: {  	s23 =	simm.s32 $0x1B2A0;
	[tilespmem:s22+$0xFFFFFFE0] =	vst v0  }
0x86: {  	[tilespmem:s23+$0xFFFFFFF0] =	vst v0  }
0x87: {  	[tilespmem:s23+$0x0] =	vst v0  }
0x88: {  	[tilespmem:s23+$0x10] =	vst v0  }
0x89: {  	s30 =	simm.s32 $0x9E60;
	s29 =	simm.s32 $0x0;
	[tilespmem:s23+$0xFFFFFFE0] =	vst v0  }
.LBB2_2:
0x8a: {  	[tilespmem:s30+$0xFFFFFFF0] =	vst v0;
	s17 =	sadd.s32 $0x40, s17  }
0x8b: {  	s18 =	sadd.s32 $0x40, s18;
	[tilespmem:s17+$0xFFFFFFF0] =	vst v0  }
0x8c: {  	s19 =	sadd.s32 $0x40, s19;
	[tilespmem:s18+$0xFFFFFFF0] =	vst v0  }
0x8d: {  	s20 =	sadd.s32 $0x40, s20;
	[tilespmem:s19+$0xFFFFFFF0] =	vst v0  }
0x8e: {  	s21 =	sadd.s32 $0x40, s21;
	[tilespmem:s20+$0xFFFFFFF0] =	vst v0  }
0x8f: {  	s22 =	sadd.s32 $0x40, s22;
	[tilespmem:s21+$0xFFFFFFF0] =	vst v0  }
0x90: {  	s23 =	sadd.s32 $0x40, s23;
	[tilespmem:s22+$0xFFFFFFF0] =	vst v0  }
0x91: {  	[tilespmem:s23+$0xFFFFFFF0] =	vst v0  }
0x92: {  	[tilespmem:s30+$0x0] =	vst v0  }
0x93: {  	[tilespmem:s17+$0x0] =	vst v0  }
0x94: {  	[tilespmem:s18+$0x0] =	vst v0  }
0x95: {  	[tilespmem:s19+$0x0] =	vst v0  }
0x96: {  	[tilespmem:s20+$0x0] =	vst v0  }
0x97: {  	[tilespmem:s21+$0x0] =	vst v0  }
0x98: {  	[tilespmem:s22+$0x0] =	vst v0  }
0x99: {  	[tilespmem:s23+$0x0] =	vst v0  }
0x9a: {  	[tilespmem:s30+$0x10] =	vst v0  }
0x9b: {  	[tilespmem:s17+$0x10] =	vst v0  }
0x9c: {  	[tilespmem:s18+$0x10] =	vst v0  }
0x9d: {  	[tilespmem:s19+$0x10] =	vst v0  }
0x9e: {  	[tilespmem:s20+$0x10] =	vst v0  }
0x9f: {  	[tilespmem:s21+$0x10] =	vst v0  }
0xa0: {  	[tilespmem:s22+$0x10] =	vst v0  }
0xa1: {  	[tilespmem:s23+$0x10] =	vst v0  }
0xa2: {  	[tilespmem:s30+$0xFFFFFFE0] =	vst v0  }
0xa3: {  	s29 =	sadd.s32 $0x4, s29;
	[tilespmem:s17+$0xFFFFFFE0] =	vst v0  }
0xa4: {  	p0 =	slt.u32 s29, $0x26C;
	[tilespmem:s18+$0xFFFFFFE0] =	vst v0  }
.Ltmp2:
0xa5: {  	[tilespmem:s19+$0xFFFFFFE0] =	vst v0;
	(pc) =	sbr.rel @p0 .LBB2_2-.Ltmp2, $4  }
0xa6: {  	[tilespmem:s20+$0xFFFFFFE0] =	vst v0  }
0xa7: {  	[tilespmem:s21+$0xFFFFFFE0] =	vst v0  }
0xa8: {  	[tilespmem:s22+$0xFFFFFFE0] =	vst v0  }
0xa9: {  	s30 =	sadd.s32 $0x40, s30;
	[tilespmem:s23+$0xFFFFFFE0] =	vst v0  }
0xaa: {  	[tilespmem:$0xC500] =	vst v0  }
0xab: {  	[tilespmem:$0xEC80] =	vst v0  }
0xac: {  	[tilespmem:$0x11400] =	vst v0  }
0xad: {  	[tilespmem:$0x13B80] =	vst v0  }
0xae: {  	[tilespmem:$0x16300] =	vst v0  }
0xaf: {  	[tilespmem:$0x18A80] =	vst v0  }
0xb0: {  	[tilespmem:$0x1B200] =	vst v0  }
0xb1: {  	[tilespmem:$0x1D980] =	vst v0;
	s17 =	simm.s32 $0x0  }
.LBB2_4:
0xb2: {  	_ =	swait.ge [sflag:s25], $0x640  }
0xb3: {  	[sflag:s25] =	ssyncset.done $0x0  }
0xb4: {  	[sflag:s25] =	ssyncadd.s32 $0xFFFFF9C0  }
0xb5: {  	_ =	swait.ge [sflag:s25], $0x640  }
0xb6: {  	[sflag:s25] =	ssyncset.done $0x0  }
0xb7: {  	s18 =	simm.s32 $0x1DA20;
	[sflag:s25] =	ssyncadd.s32 $0xFFFFF9C0  }
0xb8: {  	v1 =	vld [tilespmem:s18+$0x10];
	_ =	sdelay $0x3  }
0xb9: {  	v3 =	vld [tilespmem:s18+$0xFFFFFFE0]  }
0xba: {  	v7 =	vld [tilespmem:s18+$0xFFFFFFF0];
	v10 =	vand.u32 $0x3FFF, v1  }
0xbb: {  	v8 =	vld [tilespmem:s18+$0x0];
	_ =	sdelay $0x2  }
0xbc: {  	v6 =	vand.u32 $0x3FFF, v3  }
0xbd: {  	s18 =	simm.s32 $0x1E0A0;
	v2 =	vand.u32 $0x3FFF, v7;
	v5 =	vld.idx.msk [tilespmem:v10+s2+$0x0], $0xffff  }
0xbe: {  	v11 =	vld [tilespmem:s18+$0x10];
	v4 =	vand.u32 $0x3FFF, v8;
	_ =	sdelay $0x1  }
0xbf: {  	v9 =	vld [tilespmem:s18+$0xFFFFFFE0];
	v13 =	vshrl.u32 v1, $0xE  }
0xc0: {  	v14 =	vld.idx.msk [tilespmem:v6+s2+$0x0], $0xffff  }
0xc1: {  	v12 =	vld.idx.msk [tilespmem:v2+s2+$0x0], $0xffff;
	v1 =	vshll.u32 v5, $0x10  }
0xc2: {  	v15 =	vld.idx.msk [tilespmem:v4+s2+$0x0], $0xffff;
	v16 =	vand.u32 $0xFFFF0000, v5;
	v1 =	vmul.f32 v1, v11  }
0xc3: {  	v3 =	vshrl.u32 v3, $0xE;
	v5 =	vld [tilespmem:s18+$0xFFFFFFF0];
	v16 =	vmul.f32 v16, v11  }
0xc4: {  	[tilespmem:v13+s5+$0x0] =	vst.idx.add.f32.msk $0xffff, v1  }
0xc5: {  	v1 =	vshrl.u32 v7, $0xE;
	v7 =	vshll.u32 v14, $0x10;
	[tilespmem:v13+s6+$0x0] =	vst.idx.add.f32.msk $0xffff, v16  }
0xc6: {  	v14 =	vand.u32 $0xFFFF0000, v14;
	v54 =	vmul.f32 v7, v9;
	v17 =	vld.idx.msk [tilespmem:v10+s0+$0x0], $0xffff  }
0xc7: {  	v18 =	vshll.u32 v12, $0x10;
	v7 =	vld [tilespmem:s18+$0x0];
	v14 =	vmul.f32 v14, v9  }
0xc8: {  	v12 =	vand.u32 $0xFFFF0000, v12;
	v18 =	vmul.f32 v18, v5;
	[tilespmem:v3+s5+$0x0] =	vst.idx.add.f32.msk $0xffff, v54  }
0xc9: {  	v12 =	vmul.f32 v12, v5;
	[tilespmem:v3+s6+$0x0] =	vst.idx.add.f32.msk $0xffff, v14  }
0xca: {  	[tilespmem:v1+s5+$0x0] =	vst.idx.add.f32.msk $0xffff, v18  }
0xcb: {  	[tilespmem:v1+s6+$0x0] =	vst.idx.add.f32.msk $0xffff, v12;
	v12 =	vshll.u32 v17, $0x10  }
0xcc: {  	v8 =	vshrl.u32 v8, $0xE;
	v14 =	vld.idx.msk [tilespmem:v6+s0+$0x0], $0xffff;
	v55 =	vand.u32 $0xFFFF0000, v17;
	v12 =	vmul.f32 v12, v11  }
0xcd: {  	v56 =	vld.idx.msk [tilespmem:v2+s0+$0x0], $0xffff;
	v16 =	vmul.f32 v55, v11  }
0xce: {  	v57 =	vshll.u32 v15, $0x10;
	[tilespmem:v13+s7+$0x0] =	vst.idx.add.f32.msk $0xffff, v12  }
0xcf: {  	v12 =	vand.u32 $0xFFFF0000, v15;
	v15 =	vmul.f32 v57, v7;
	[tilespmem:v13+s8+$0x0] =	vst.idx.add.f32.msk $0xffff, v16  }
0xd0: {  	v12 =	vmul.f32 v12, v7;
	v16 =	vld.idx.msk [tilespmem:v10+s3+$0x0], $0xffff  }
0xd1: {  	[tilespmem:v8+s5+$0x0] =	vst.idx.add.f32.msk $0xffff, v15;
	v15 =	vshll.u32 v14, $0x10  }
0xd2: {  	[tilespmem:v8+s6+$0x0] =	vst.idx.add.f32.msk $0xffff, v12;
	v12 =	vand.u32 $0xFFFF0000, v14;
	v14 =	vmul.f32 v15, v9  }
0xd3: {  	v58 =	vshll.u32 v56, $0x10;
	v15 =	vld.idx.msk [tilespmem:v4+s0+$0x0], $0xffff;
	v12 =	vmul.f32 v12, v9  }
0xd4: {  	v17 =	vand.u32 $0xFFFF0000, v56;
	v18 =	vmul.f32 v58, v5;
	[tilespmem:v3+s7+$0x0] =	vst.idx.add.f32.msk $0xffff, v14  }
0xd5: {  	v14 =	vmul.f32 v17, v5;
	[tilespmem:v3+s8+$0x0] =	vst.idx.add.f32.msk $0xffff, v12;
	v12 =	vshll.u32 v16, $0x10  }
0xd6: {  	[tilespmem:v1+s7+$0x0] =	vst.idx.add.f32.msk $0xffff, v18;
	v16 =	vand.u32 $0xFFFF0000, v16;
	v12 =	vmul.f32 v12, v11  }
0xd7: {  	[tilespmem:v1+s8+$0x0] =	vst.idx.add.f32.msk $0xffff, v14;
	v14 =	vmul.f32 v16, v11  }
0xd8: {  	v59 =	vshll.u32 v15, $0x10;
	[tilespmem:v13+s9+$0x0] =	vst.idx.add.f32.msk $0xffff, v12  }
0xd9: {  	v12 =	vand.u32 $0xFFFF0000, v15;
	v15 =	vmul.f32 v59, v7;
	[tilespmem:v13+s10+$0x0] =	vst.idx.add.f32.msk $0xffff, v14  }
0xda: {  	v12 =	vmul.f32 v12, v7;
	v10 =	vld.idx.msk [tilespmem:v10+s24+$0x0], $0xffff  }
0xdb: {  	[tilespmem:v8+s7+$0x0] =	vst.idx.add.f32.msk $0xffff, v15  }
0xdc: {  	[tilespmem:v8+s8+$0x0] =	vst.idx.add.f32.msk $0xffff, v12  }
0xdd: {  	v12 =	vld.idx.msk [tilespmem:v6+s3+$0x0], $0xffff  }
0xde: {  	v14 =	vld.idx.msk [tilespmem:v2+s3+$0x0], $0xffff  }
0xdf: {  	v15 =	vld.idx.msk [tilespmem:v4+s3+$0x0], $0xffff  }
0xe0: {  	v60 =	vshll.u32 v10, $0x10  }
0xe1: {  	v10 =	vand.u32 $0xFFFF0000, v10;
	v16 =	vmul.f32 v60, v11  }
0xe2: {  	v10 =	vmul.f32 v10, v11;
	v11 =	vshll.u32 v12, $0x10  }
0xe3: {  	v62 =	vshll.u32 v14, $0x10;
	v12 =	vand.u32 $0xFFFF0000, v12;
	v61 =	vmul.f32 v11, v9;
	[tilespmem:v13+s11+$0x0] =	vst.idx.add.f32.msk $0xffff, v16  }
0xe4: {  	v63 =	vand.u32 $0xFFFF0000, v14;
	v11 =	vmul.f32 v12, v9;
	v14 =	vshll.u32 v15, $0x10;
	[tilespmem:v13+s12+$0x0] =	vst.idx.add.f32.msk $0xffff, v10  }
0xe5: {  	s19 =	simm.s32 $0x0;
	s20 =	simm.s32 $0x1DA60;
	v12 =	vmul.f32 v62, v5;
	v13 =	vand.u32 $0xFFFF0000, v15;
	[tilespmem:v3+s9+$0x0] =	vst.idx.add.f32.msk $0xffff, v61;
	v10 =	vmul.f32 v63, v5  }
.LBB2_5:
0xe6: {  	v15 =	vld [tilespmem:s20+$0x10];
	v14 =	vmul.f32 v14, v7;
	v16 =	vmul.f32 v13, v7  }
0xe7: {  	v17 =	vld [tilespmem:s20+$0xFFFFFFF0]  }
0xe8: {  	v18 =	vld [tilespmem:s20+$0x0]  }
0xe9: {  	v19 =	vld [tilespmem:s20+$0xFFFFFFE0]  }
0xea: {  	s19 =	sadd.s32 $0x4, s19;
	[tilespmem:v3+s10+$0x0] =	vst.idx.add.f32.msk $0xffff, v11  }
0xeb: {  	p0 =	slt.u32 s19, $0x60;
	v13 =	vand.u32 $0x3FFF, v15;
	[tilespmem:v1+s9+$0x0] =	vst.idx.add.f32.msk $0xffff, v12  }
0xec: {  	v11 =	vshrl.u32 v17, $0xE;
	v17 =	vand.u32 $0x3FFF, v17;
	[tilespmem:v1+s10+$0x0] =	vst.idx.add.f32.msk $0xffff, v10  }
0xed: {  	v10 =	vshrl.u32 v18, $0xE;
	v18 =	vand.u32 $0x3FFF, v18;
	[tilespmem:v8+s9+$0x0] =	vst.idx.add.f32.msk $0xffff, v14  }
0xee: {  	v20 =	vshrl.u32 v19, $0xE;
	v12 =	vand.u32 $0x3FFF, v19;
	[tilespmem:v8+s10+$0x0] =	vst.idx.add.f32.msk $0xffff, v16  }
0xef: {  	v16 =	vld.idx.msk [tilespmem:v6+s24+$0x0], $0xffff;
	v6 =	vmov v12  }
0xf0: {  	v19 =	vld.idx.msk [tilespmem:v13+s2+$0x0], $0xffff  }
0xf1: {  	s18 =	sadd.s32 $0x40, s18;
	v21 =	vld.idx.msk [tilespmem:v17+s2+$0x0], $0xffff  }
0xf2: {  	v14 =	vld [tilespmem:s18+$0x10]  }
0xf3: {  	v22 =	vld.idx.msk [tilespmem:v12+s2+$0x0], $0xffff  }
0xf4: {  	v12 =	vshrl.u32 v15, $0xE;
	v23 =	vld.idx.msk [tilespmem:v18+s2+$0x0], $0xffff  }
0xf5: {  	v24 =	vshll.u32 v16, $0x10;
	v16 =	vand.u32 $0xFFFF0000, v16;
	v15 =	vld [tilespmem:s18+$0xFFFFFFE0]  }
0xf6: {  	v26 =	vshll.u32 v19, $0x10;
	v24 =	vmul.f32 v24, v9;
	v16 =	vmul.f32 v16, v9;
	v25 =	vld [tilespmem:s18+$0xFFFFFFF0]  }
0xf7: {  	v9 =	vand.u32 $0xFFFF0000, v19;
	v27 =	vshll.u32 v21, $0x10;
	v28 =	vld [tilespmem:s18+$0x0];
	v19 =	vmul.f32 v26, v14  }
0xf8: {  	v21 =	vand.u32 $0xFFFF0000, v21;
	v29 =	vmul.f32 v9, v14;
	v26 =	vld.idx.msk [tilespmem:v2+s24+$0x0], $0xffff;
	v2 =	vmov v17  }
0xf9: {  	v17 =	vshll.u32 v22, $0x10;
	v22 =	vand.u32 $0xFFFF0000, v22;
	[tilespmem:v12+s5+$0x0] =	vst.idx.add.f32.msk $0xffff, v19  }
0xfa: {  	v19 =	vshll.u32 v23, $0x10;
	v23 =	vand.u32 $0xFFFF0000, v23;
	v17 =	vmul.f32 v17, v15;
	[tilespmem:v12+s6+$0x0] =	vst.idx.add.f32.msk $0xffff, v29;
	v9 =	vmovc v15  }
0xfb: {  	v15 =	vmul.f32 v22, v9;
	v22 =	vmul.f32 v27, v25;
	v27 =	vld.idx.msk [tilespmem:v13+s0+$0x0], $0xffff  }
0xfc: {  	[tilespmem:v20+s5+$0x0] =	vst.idx.add.f32.msk $0xffff, v17;
	v17 =	vmul.f32 v21, v25;
	v19 =	vmul.f32 v19, v28  }
0xfd: {  	[tilespmem:v20+s6+$0x0] =	vst.idx.add.f32.msk $0xffff, v15;
	v15 =	vmul.f32 v23, v28  }
0xfe: {  	v21 =	vshll.u32 v26, $0x10;
	[tilespmem:v11+s5+$0x0] =	vst.idx.add.f32.msk $0xffff, v22;
	v22 =	vand.u32 $0xFFFF0000, v26  }
0xff: {  	[tilespmem:v11+s6+$0x0] =	vst.idx.add.f32.msk $0xffff, v17;
	v17 =	vmul.f32 v21, v5;
	v21 =	vmul.f32 v22, v5;
	v5 =	vmov v25  }
0x100: {  	[tilespmem:v10+s5+$0x0] =	vst.idx.add.f32.msk $0xffff, v19  }
0x101: {  	[tilespmem:v10+s6+$0x0] =	vst.idx.add.f32.msk $0xffff, v15;
	v15 =	vshll.u32 v27, $0x10  }
0x102: {  	v22 =	vand.u32 $0xFFFF0000, v27;
	v19 =	vld.idx.msk [tilespmem:v6+s0+$0x0], $0xffff;
	v15 =	vmul.f32 v15, v14  }
0x103: {  	v22 =	vmul.f32 v22, v14;
	v23 =	vld.idx.msk [tilespmem:v2+s0+$0x0], $0xffff  }
0x104: {  	[tilespmem:v12+s7+$0x0] =	vst.idx.add.f32.msk $0xffff, v15  }
0x105: {  	[tilespmem:v12+s8+$0x0] =	vst.idx.add.f32.msk $0xffff, v22  }
0x106: {  	v15 =	vld.idx.msk [tilespmem:v13+s3+$0x0], $0xffff  }
0x107: {  	v22 =	vld.idx.msk [tilespmem:v18+s0+$0x0], $0xffff  }
0x108: {  	v25 =	vshll.u32 v19, $0x10;
	v19 =	vand.u32 $0xFFFF0000, v19;
	v26 =	vld.idx.msk [tilespmem:v4+s24+$0x0], $0xffff;
	v4 =	vmov v18  }
0x109: {  	v18 =	vmul.f32 v25, v9;
	v25 =	vshll.u32 v23, $0x10;
	v23 =	vand.u32 $0xFFFF0000, v23;
	[tilespmem:v3+s11+$0x0] =	vst.idx.add.f32.msk $0xffff, v24  }
0x10a: {  	v19 =	vmul.f32 v19, v9;
	v24 =	vmul.f32 v25, v5;
	[tilespmem:v3+s12+$0x0] =	vst.idx.add.f32.msk $0xffff, v16;
	v3 =	vmov v20  }
0x10b: {  	v16 =	vmul.f32 v23, v5;
	[tilespmem:v20+s7+$0x0] =	vst.idx.add.f32.msk $0xffff, v18  }
0x10c: {  	v18 =	vshll.u32 v15, $0x10;
	[tilespmem:v20+s8+$0x0] =	vst.idx.add.f32.msk $0xffff, v19  }
0x10d: {  	v15 =	vand.u32 $0xFFFF0000, v15;
	v19 =	vshll.u32 v22, $0x10;
	v18 =	vmul.f32 v18, v14;
	[tilespmem:v11+s7+$0x0] =	vst.idx.add.f32.msk $0xffff, v24  }
0x10e: {  	v15 =	vmul.f32 v15, v14;
	v19 =	vmul.f32 v19, v28;
	[tilespmem:v11+s8+$0x0] =	vst.idx.add.f32.msk $0xffff, v16;
	v16 =	vand.u32 $0xFFFF0000, v22  }
0x10f: {  	v20 =	vand.u32 $0xFFFF0000, v26;
	v16 =	vmul.f32 v16, v28;
	[tilespmem:v12+s9+$0x0] =	vst.idx.add.f32.msk $0xffff, v18;
	v18 =	vshll.u32 v26, $0x10  }
0x110: {  	[tilespmem:v12+s10+$0x0] =	vst.idx.add.f32.msk $0xffff, v15;
	v15 =	vmul.f32 v18, v7;
	v18 =	vmul.f32 v20, v7;
	v7 =	vmov v28  }
0x111: {  	v13 =	vld.idx.msk [tilespmem:v13+s24+$0x0], $0xffff  }
0x112: {  	[tilespmem:v10+s7+$0x0] =	vst.idx.add.f32.msk $0xffff, v19  }
0x113: {  	[tilespmem:v10+s8+$0x0] =	vst.idx.add.f32.msk $0xffff, v16  }
0x114: {  	v16 =	vld.idx.msk [tilespmem:v6+s3+$0x0], $0xffff  }
0x115: {  	v19 =	vld.idx.msk [tilespmem:v2+s3+$0x0], $0xffff  }
0x116: {  	v20 =	vld.idx.msk [tilespmem:v4+s3+$0x0], $0xffff  }
0x117: {  	v22 =	vshll.u32 v13, $0x10;
	[tilespmem:v1+s11+$0x0] =	vst.idx.add.f32.msk $0xffff, v17  }
0x118: {  	v13 =	vand.u32 $0xFFFF0000, v13;
	v17 =	vmul.f32 v22, v14;
	[tilespmem:v1+s12+$0x0] =	vst.idx.add.f32.msk $0xffff, v21;
	v1 =	vmov v11  }
.Ltmp3:
0x119: {  	v11 =	vmul.f32 v13, v14;
	[tilespmem:v8+s11+$0x0] =	vst.idx.add.f32.msk $0xffff, v15;
	(pc) =	sbr.rel @p0 .LBB2_5-.Ltmp3, $4  }
0x11a: {  	v13 =	vshll.u32 v16, $0x10;
	v14 =	vand.u32 $0xFFFF0000, v16;
	[tilespmem:v12+s11+$0x0] =	vst.idx.add.f32.msk $0xffff, v17  }
0x11b: {  	v15 =	vmul.f32 v13, v9;
	v16 =	vshll.u32 v19, $0x10;
	v17 =	vand.u32 $0xFFFF0000, v19;
	[tilespmem:v12+s12+$0x0] =	vst.idx.add.f32.msk $0xffff, v11  }
0x11c: {  	v11 =	vmul.f32 v14, v9;
	v14 =	vshll.u32 v20, $0x10;
	v13 =	vand.u32 $0xFFFF0000, v20;
	[tilespmem:v8+s12+$0x0] =	vst.idx.add.f32.msk $0xffff, v18;
	v8 =	vmovc v10  }
0x11d: {  	s20 =	sadd.s32 $0x40, s20;
	v12 =	vmul.f32 v16, v5;
	v10 =	vmul.f32 v17, v5;
	[tilespmem:v3+s9+$0x0] =	vst.idx.add.f32.msk $0xffff, v15  }
0x11e: {  	_ =	sdelay $0x3  }
0x11f: {  	[tilespmem:v3+s10+$0x0] =	vst.idx.add.f32.msk $0xffff, v11  }
0x120: {  	[tilespmem:v1+s9+$0x0] =	vst.idx.add.f32.msk $0xffff, v12  }
0x121: {  	v11 =	vmul.f32 v14, v7;
	v6 =	vld.idx.msk [tilespmem:v6+s24+$0x0], $0xffff  }
0x122: {  	[tilespmem:v1+s10+$0x0] =	vst.idx.add.f32.msk $0xffff, v10  }
0x123: {  	v10 =	vmul.f32 v13, v7;
	[tilespmem:v8+s9+$0x0] =	vst.idx.add.f32.msk $0xffff, v11  }
0x124: {  	v2 =	vld.idx.msk [tilespmem:v2+s24+$0x0], $0xffff  }
0x125: {  	[tilespmem:v8+s10+$0x0] =	vst.idx.add.f32.msk $0xffff, v10  }
0x126: {  	v4 =	vld.idx.msk [tilespmem:v4+s24+$0x0], $0xffff  }
0x127: {  	v10 =	vshll.u32 v6, $0x10  }
0x128: {  	v6 =	vand.u32 $0xFFFF0000, v6;
	v10 =	vmul.f32 v10, v9  }
0x129: {  	v6 =	vmul.f32 v6, v9;
	v9 =	vshll.u32 v2, $0x10  }
0x12a: {  	p0 =	seq.s32 s17, $0x31;
	v2 =	vand.u32 $0xFFFF0000, v2;
	v9 =	vmul.f32 v9, v5;
	[tilespmem:v3+s11+$0x0] =	vst.idx.add.f32.msk $0xffff, v10  }
0x12b: {  	s18 =	smul.u32 @!p0 $0xC80, s17;
	v2 =	vmul.f32 v2, v5;
	[tilespmem:v3+s12+$0x0] =	vst.idx.add.f32.msk $0xffff, v6;
	v3 =	vshll.u32 v4, $0x10  }
0x12c: {  	v4 =	vand.u32 $0xFFFF0000, v4;
	v3 =	vmul.f32 v3, v7;
	[tilespmem:v1+s11+$0x0] =	vst.idx.add.f32.msk $0xffff, v9  }
0x12d: {  	s18 =	sadd.s32 @!p0 s18, s13;
	v4 =	vmul.f32 v4, v7;
	[tilespmem:v1+s12+$0x0] =	vst.idx.add.f32.msk $0xffff, v2  }
0x12e: {  	s18 =	sshrl.u32 @!p0 s18, $0x3;
	[tilespmem:v8+s11+$0x0] =	vst.idx.add.f32.msk $0xffff, v3  }
0x12f: {  	s20 =	simm.s32 @!p0 $0x0;
	s21 =	simm.s32 @!p0 $0x1DA00;
	s19 =	sadd.s32 @!p0 s4, s18;
	[tilespmem:v8+s12+$0x0] =	vst.idx.add.f32.msk $0xffff, v4  }
0x130: {  	[tilespmem:s21], [sflag:$0x1] =	stream.linear.gather @!p0 [hbm4b:s19+s20], $0x640, $0x38;
	[tilespmem:$0x1F400] =	vst v63  }
0x131: {  	s18 =	sadd.s32 @!p0 s1, s18;
	s19 =	simm.s32 @!p0 $0x1E080  }
0x132: {  	[tilespmem:s19], [sflag:$0x1] =	stream.linear.gather @!p0 [hbm4b:s18+s20], $0x640, $0x38;
	[tilespmem:$0x1F400] =	vst v63  }
0x133: {  	_ =	swait.ge [sflag:s15], $0x640  }
0x134: {  	[sflag:s15] =	ssyncset.done $0x0  }
0x135: {  	[sflag:s15] =	ssyncadd.s32 $0xFFFFF9C0  }
0x136: {  	_ =	swait.ge [sflag:s15], $0x640  }
0x137: {  	[sflag:s15] =	ssyncset.done $0x0  }
0x138: {  	s30 =	simm.s32 $0x1E720;
	[sflag:s15] =	ssyncadd.s32 $0xFFFFF9C0  }
0x139: {  	v1 =	vld [tilespmem:s30+$0x10];
	_ =	sdelay $0x3  }
0x13a: {  	v3 =	vld [tilespmem:s30+$0xFFFFFFE0]  }
0x13b: {  	v7 =	vld [tilespmem:s30+$0xFFFFFFF0];
	v10 =	vand.u32 $0x3FFF, v1  }
0x13c: {  	v8 =	vld [tilespmem:s30+$0x0];
	_ =	sdelay $0x2  }
0x13d: {  	v5 =	vand.u32 $0x3FFF, v3  }
0x13e: {  	s18 =	simm.s32 $0x1EDA0;
	v2 =	vand.u32 $0x3FFF, v7;
	v6 =	vld.idx.msk [tilespmem:v10+s2+$0x0], $0xffff  }
0x13f: {  	v11 =	vld [tilespmem:s18+$0x10];
	v4 =	vand.u32 $0x3FFF, v8;
	_ =	sdelay $0x1  }
0x140: {  	v9 =	vld [tilespmem:s18+$0xFFFFFFE0];
	v13 =	vshrl.u32 v1, $0xE  }
0x141: {  	v14 =	vld.idx.msk [tilespmem:v5+s2+$0x0], $0xffff  }
0x142: {  	v12 =	vld.idx.msk [tilespmem:v2+s2+$0x0], $0xffff;
	v1 =	vshll.u32 v6, $0x10  }
0x143: {  	v15 =	vld.idx.msk [tilespmem:v4+s2+$0x0], $0xffff;
	v16 =	vand.u32 $0xFFFF0000, v6;
	v1 =	vmul.f32 v1, v11  }
0x144: {  	v3 =	vshrl.u32 v3, $0xE;
	v6 =	vld [tilespmem:s18+$0xFFFFFFF0];
	v16 =	vmul.f32 v16, v11  }
0x145: {  	[tilespmem:v13+s5+$0x0] =	vst.idx.add.f32.msk $0xffff, v1  }
0x146: {  	v1 =	vshrl.u32 v7, $0xE;
	v7 =	vshll.u32 v14, $0x10;
	[tilespmem:v13+s6+$0x0] =	vst.idx.add.f32.msk $0xffff, v16  }
0x147: {  	v14 =	vand.u32 $0xFFFF0000, v14;
	v54 =	vmul.f32 v7, v9;
	v17 =	vld.idx.msk [tilespmem:v10+s0+$0x0], $0xffff  }
0x148: {  	v18 =	vshll.u32 v12, $0x10;
	v7 =	vld [tilespmem:s18+$0x0];
	v14 =	vmul.f32 v14, v9  }
0x149: {  	v12 =	vand.u32 $0xFFFF0000, v12;
	v18 =	vmul.f32 v18, v6;
	[tilespmem:v3+s5+$0x0] =	vst.idx.add.f32.msk $0xffff, v54  }
0x14a: {  	v12 =	vmul.f32 v12, v6;
	[tilespmem:v3+s6+$0x0] =	vst.idx.add.f32.msk $0xffff, v14  }
0x14b: {  	[tilespmem:v1+s5+$0x0] =	vst.idx.add.f32.msk $0xffff, v18  }
0x14c: {  	[tilespmem:v1+s6+$0x0] =	vst.idx.add.f32.msk $0xffff, v12;
	v12 =	vshll.u32 v17, $0x10  }
0x14d: {  	v8 =	vshrl.u32 v8, $0xE;
	v14 =	vld.idx.msk [tilespmem:v5+s0+$0x0], $0xffff;
	v55 =	vand.u32 $0xFFFF0000, v17;
	v12 =	vmul.f32 v12, v11  }
0x14e: {  	v56 =	vld.idx.msk [tilespmem:v2+s0+$0x0], $0xffff;
	v16 =	vmul.f32 v55, v11  }
0x14f: {  	v57 =	vshll.u32 v15, $0x10;
	[tilespmem:v13+s7+$0x0] =	vst.idx.add.f32.msk $0xffff, v12  }
0x150: {  	v12 =	vand.u32 $0xFFFF0000, v15;
	v15 =	vmul.f32 v57, v7;
	[tilespmem:v13+s8+$0x0] =	vst.idx.add.f32.msk $0xffff, v16  }
0x151: {  	v12 =	vmul.f32 v12, v7;
	v16 =	vld.idx.msk [tilespmem:v10+s3+$0x0], $0xffff  }
0x152: {  	[tilespmem:v8+s5+$0x0] =	vst.idx.add.f32.msk $0xffff, v15;
	v15 =	vshll.u32 v14, $0x10  }
0x153: {  	[tilespmem:v8+s6+$0x0] =	vst.idx.add.f32.msk $0xffff, v12;
	v12 =	vand.u32 $0xFFFF0000, v14;
	v14 =	vmul.f32 v15, v9  }
0x154: {  	v58 =	vshll.u32 v56, $0x10;
	v15 =	vld.idx.msk [tilespmem:v4+s0+$0x0], $0xffff;
	v12 =	vmul.f32 v12, v9  }
0x155: {  	v17 =	vand.u32 $0xFFFF0000, v56;
	v18 =	vmul.f32 v58, v6;
	[tilespmem:v3+s7+$0x0] =	vst.idx.add.f32.msk $0xffff, v14  }
0x156: {  	v14 =	vmul.f32 v17, v6;
	[tilespmem:v3+s8+$0x0] =	vst.idx.add.f32.msk $0xffff, v12;
	v12 =	vshll.u32 v16, $0x10  }
0x157: {  	[tilespmem:v1+s7+$0x0] =	vst.idx.add.f32.msk $0xffff, v18;
	v16 =	vand.u32 $0xFFFF0000, v16;
	v12 =	vmul.f32 v12, v11  }
0x158: {  	[tilespmem:v1+s8+$0x0] =	vst.idx.add.f32.msk $0xffff, v14;
	v14 =	vmul.f32 v16, v11  }
0x159: {  	v59 =	vshll.u32 v15, $0x10;
	[tilespmem:v13+s9+$0x0] =	vst.idx.add.f32.msk $0xffff, v12  }
0x15a: {  	v12 =	vand.u32 $0xFFFF0000, v15;
	v15 =	vmul.f32 v59, v7;
	[tilespmem:v13+s10+$0x0] =	vst.idx.add.f32.msk $0xffff, v14  }
0x15b: {  	v12 =	vmul.f32 v12, v7;
	v10 =	vld.idx.msk [tilespmem:v10+s24+$0x0], $0xffff  }
0x15c: {  	[tilespmem:v8+s7+$0x0] =	vst.idx.add.f32.msk $0xffff, v15  }
0x15d: {  	[tilespmem:v8+s8+$0x0] =	vst.idx.add.f32.msk $0xffff, v12  }
0x15e: {  	v12 =	vld.idx.msk [tilespmem:v5+s3+$0x0], $0xffff  }
0x15f: {  	v14 =	vld.idx.msk [tilespmem:v2+s3+$0x0], $0xffff  }
0x160: {  	v15 =	vld.idx.msk [tilespmem:v4+s3+$0x0], $0xffff  }
0x161: {  	v60 =	vshll.u32 v10, $0x10  }
0x162: {  	v10 =	vand.u32 $0xFFFF0000, v10;
	v16 =	vmul.f32 v60, v11  }
0x163: {  	v10 =	vmul.f32 v10, v11;
	v11 =	vshll.u32 v12, $0x10  }
0x164: {  	v62 =	vshll.u32 v14, $0x10;
	v12 =	vand.u32 $0xFFFF0000, v12;
	v61 =	vmul.f32 v11, v9;
	[tilespmem:v13+s11+$0x0] =	vst.idx.add.f32.msk $0xffff, v16  }
0x165: {  	v63 =	vand.u32 $0xFFFF0000, v14;
	v11 =	vmul.f32 v12, v9;
	v14 =	vshll.u32 v15, $0x10;
	[tilespmem:v13+s12+$0x0] =	vst.idx.add.f32.msk $0xffff, v10  }
0x166: {  	s19 =	simm.s32 $0x0;
	s20 =	simm.s32 $0x1E760;
	v12 =	vmul.f32 v62, v6;
	v13 =	vand.u32 $0xFFFF0000, v15;
	[tilespmem:v3+s9+$0x0] =	vst.idx.add.f32.msk $0xffff, v61;
	v10 =	vmul.f32 v63, v6  }
.LBB2_7:
0x167: {  	v15 =	vld [tilespmem:s20+$0x10];
	v14 =	vmul.f32 v14, v7;
	v16 =	vmul.f32 v13, v7  }
0x168: {  	v17 =	vld [tilespmem:s20+$0xFFFFFFF0]  }
0x169: {  	v18 =	vld [tilespmem:s20+$0x0]  }
0x16a: {  	v19 =	vld [tilespmem:s20+$0xFFFFFFE0]  }
0x16b: {  	s19 =	sadd.s32 $0x4, s19;
	[tilespmem:v3+s10+$0x0] =	vst.idx.add.f32.msk $0xffff, v11  }
0x16c: {  	p1 =	slt.u32 s19, $0x60;
	v13 =	vand.u32 $0x3FFF, v15;
	[tilespmem:v1+s9+$0x0] =	vst.idx.add.f32.msk $0xffff, v12  }
0x16d: {  	v11 =	vshrl.u32 v17, $0xE;
	v17 =	vand.u32 $0x3FFF, v17;
	[tilespmem:v1+s10+$0x0] =	vst.idx.add.f32.msk $0xffff, v10  }
0x16e: {  	v10 =	vshrl.u32 v18, $0xE;
	v18 =	vand.u32 $0x3FFF, v18;
	[tilespmem:v8+s9+$0x0] =	vst.idx.add.f32.msk $0xffff, v14  }
0x16f: {  	v20 =	vshrl.u32 v19, $0xE;
	v12 =	vand.u32 $0x3FFF, v19;
	[tilespmem:v8+s10+$0x0] =	vst.idx.add.f32.msk $0xffff, v16  }
0x170: {  	v16 =	vld.idx.msk [tilespmem:v5+s24+$0x0], $0xffff;
	v5 =	vmov v12  }
0x171: {  	v19 =	vld.idx.msk [tilespmem:v13+s2+$0x0], $0xffff  }
0x172: {  	s18 =	sadd.s32 $0x40, s18;
	v21 =	vld.idx.msk [tilespmem:v17+s2+$0x0], $0xffff  }
0x173: {  	v14 =	vld [tilespmem:s18+$0x10]  }
0x174: {  	v22 =	vld.idx.msk [tilespmem:v12+s2+$0x0], $0xffff  }
0x175: {  	v12 =	vshrl.u32 v15, $0xE;
	v23 =	vld.idx.msk [tilespmem:v18+s2+$0x0], $0xffff  }
0x176: {  	v24 =	vshll.u32 v16, $0x10;
	v16 =	vand.u32 $0xFFFF0000, v16;
	v15 =	vld [tilespmem:s18+$0xFFFFFFE0]  }
0x177: {  	v26 =	vshll.u32 v19, $0x10;
	v24 =	vmul.f32 v24, v9;
	v16 =	vmul.f32 v16, v9;
	v25 =	vld [tilespmem:s18+$0xFFFFFFF0]  }
0x178: {  	v9 =	vand.u32 $0xFFFF0000, v19;
	v27 =	vshll.u32 v21, $0x10;
	v28 =	vld [tilespmem:s18+$0x0];
	v19 =	vmul.f32 v26, v14  }
0x179: {  	v21 =	vand.u32 $0xFFFF0000, v21;
	v29 =	vmul.f32 v9, v14;
	v26 =	vld.idx.msk [tilespmem:v2+s24+$0x0], $0xffff;
	v2 =	vmov v17  }
0x17a: {  	v17 =	vshll.u32 v22, $0x10;
	v22 =	vand.u32 $0xFFFF0000, v22;
	[tilespmem:v12+s5+$0x0] =	vst.idx.add.f32.msk $0xffff, v19  }
0x17b: {  	v19 =	vshll.u32 v23, $0x10;
	v23 =	vand.u32 $0xFFFF0000, v23;
	v17 =	vmul.f32 v17, v15;
	[tilespmem:v12+s6+$0x0] =	vst.idx.add.f32.msk $0xffff, v29;
	v9 =	vmovc v15  }
0x17c: {  	v15 =	vmul.f32 v22, v9;
	v22 =	vmul.f32 v27, v25;
	v27 =	vld.idx.msk [tilespmem:v13+s0+$0x0], $0xffff  }
0x17d: {  	[tilespmem:v20+s5+$0x0] =	vst.idx.add.f32.msk $0xffff, v17;
	v17 =	vmul.f32 v21, v25;
	v19 =	vmul.f32 v19, v28  }
0x17e: {  	[tilespmem:v20+s6+$0x0] =	vst.idx.add.f32.msk $0xffff, v15;
	v15 =	vmul.f32 v23, v28  }
0x17f: {  	v21 =	vshll.u32 v26, $0x10;
	[tilespmem:v11+s5+$0x0] =	vst.idx.add.f32.msk $0xffff, v22;
	v22 =	vand.u32 $0xFFFF0000, v26  }
0x180: {  	[tilespmem:v11+s6+$0x0] =	vst.idx.add.f32.msk $0xffff, v17;
	v17 =	vmul.f32 v21, v6;
	v21 =	vmul.f32 v22, v6;
	v6 =	vmov v25  }
0x181: {  	[tilespmem:v10+s5+$0x0] =	vst.idx.add.f32.msk $0xffff, v19  }
0x182: {  	[tilespmem:v10+s6+$0x0] =	vst.idx.add.f32.msk $0xffff, v15;
	v15 =	vshll.u32 v27, $0x10  }
0x183: {  	v22 =	vand.u32 $0xFFFF0000, v27;
	v19 =	vld.idx.msk [tilespmem:v5+s0+$0x0], $0xffff;
	v15 =	vmul.f32 v15, v14  }
0x184: {  	v22 =	vmul.f32 v22, v14;
	v23 =	vld.idx.msk [tilespmem:v2+s0+$0x0], $0xffff  }
0x185: {  	[tilespmem:v12+s7+$0x0] =	vst.idx.add.f32.msk $0xffff, v15  }
0x186: {  	[tilespmem:v12+s8+$0x0] =	vst.idx.add.f32.msk $0xffff, v22  }
0x187: {  	v15 =	vld.idx.msk [tilespmem:v13+s3+$0x0], $0xffff  }
0x188: {  	v22 =	vld.idx.msk [tilespmem:v18+s0+$0x0], $0xffff  }
0x189: {  	v25 =	vshll.u32 v19, $0x10;
	v19 =	vand.u32 $0xFFFF0000, v19;
	v26 =	vld.idx.msk [tilespmem:v4+s24+$0x0], $0xffff;
	v4 =	vmov v18  }
0x18a: {  	v18 =	vmul.f32 v25, v9;
	v25 =	vshll.u32 v23, $0x10;
	v23 =	vand.u32 $0xFFFF0000, v23;
	[tilespmem:v3+s11+$0x0] =	vst.idx.add.f32.msk $0xffff, v24  }
0x18b: {  	v19 =	vmul.f32 v19, v9;
	v24 =	vmul.f32 v25, v6;
	[tilespmem:v3+s12+$0x0] =	vst.idx.add.f32.msk $0xffff, v16;
	v3 =	vmov v20  }
0x18c: {  	v16 =	vmul.f32 v23, v6;
	[tilespmem:v20+s7+$0x0] =	vst.idx.add.f32.msk $0xffff, v18  }
0x18d: {  	v18 =	vshll.u32 v15, $0x10;
	[tilespmem:v20+s8+$0x0] =	vst.idx.add.f32.msk $0xffff, v19  }
0x18e: {  	v15 =	vand.u32 $0xFFFF0000, v15;
	v19 =	vshll.u32 v22, $0x10;
	v18 =	vmul.f32 v18, v14;
	[tilespmem:v11+s7+$0x0] =	vst.idx.add.f32.msk $0xffff, v24  }
0x18f: {  	v15 =	vmul.f32 v15, v14;
	v19 =	vmul.f32 v19, v28;
	[tilespmem:v11+s8+$0x0] =	vst.idx.add.f32.msk $0xffff, v16;
	v16 =	vand.u32 $0xFFFF0000, v22  }
0x190: {  	v20 =	vand.u32 $0xFFFF0000, v26;
	v16 =	vmul.f32 v16, v28;
	[tilespmem:v12+s9+$0x0] =	vst.idx.add.f32.msk $0xffff, v18;
	v18 =	vshll.u32 v26, $0x10  }
0x191: {  	[tilespmem:v12+s10+$0x0] =	vst.idx.add.f32.msk $0xffff, v15;
	v15 =	vmul.f32 v18, v7;
	v18 =	vmul.f32 v20, v7;
	v7 =	vmov v28  }
0x192: {  	v13 =	vld.idx.msk [tilespmem:v13+s24+$0x0], $0xffff  }
0x193: {  	[tilespmem:v10+s7+$0x0] =	vst.idx.add.f32.msk $0xffff, v19  }
0x194: {  	[tilespmem:v10+s8+$0x0] =	vst.idx.add.f32.msk $0xffff, v16  }
0x195: {  	v16 =	vld.idx.msk [tilespmem:v5+s3+$0x0], $0xffff  }
0x196: {  	v19 =	vld.idx.msk [tilespmem:v2+s3+$0x0], $0xffff  }
0x197: {  	v20 =	vld.idx.msk [tilespmem:v4+s3+$0x0], $0xffff  }
0x198: {  	v22 =	vshll.u32 v13, $0x10;
	[tilespmem:v1+s11+$0x0] =	vst.idx.add.f32.msk $0xffff, v17  }
0x199: {  	v13 =	vand.u32 $0xFFFF0000, v13;
	v17 =	vmul.f32 v22, v14;
	[tilespmem:v1+s12+$0x0] =	vst.idx.add.f32.msk $0xffff, v21;
	v1 =	vmov v11  }
.Ltmp4:
0x19a: {  	v11 =	vmul.f32 v13, v14;
	[tilespmem:v8+s11+$0x0] =	vst.idx.add.f32.msk $0xffff, v15;
	(pc) =	sbr.rel @p1 .LBB2_7-.Ltmp4, $4  }
0x19b: {  	v13 =	vshll.u32 v16, $0x10;
	v14 =	vand.u32 $0xFFFF0000, v16;
	[tilespmem:v12+s11+$0x0] =	vst.idx.add.f32.msk $0xffff, v17  }
0x19c: {  	v15 =	vmul.f32 v13, v9;
	v16 =	vshll.u32 v19, $0x10;
	v17 =	vand.u32 $0xFFFF0000, v19;
	[tilespmem:v12+s12+$0x0] =	vst.idx.add.f32.msk $0xffff, v11  }
0x19d: {  	v11 =	vmul.f32 v14, v9;
	v14 =	vshll.u32 v20, $0x10;
	v13 =	vand.u32 $0xFFFF0000, v20;
	[tilespmem:v8+s12+$0x0] =	vst.idx.add.f32.msk $0xffff, v18;
	v8 =	vmovc v10  }
0x19e: {  	s20 =	sadd.s32 $0x40, s20;
	v12 =	vmul.f32 v16, v6;
	v10 =	vmul.f32 v17, v6;
	[tilespmem:v3+s9+$0x0] =	vst.idx.add.f32.msk $0xffff, v15  }
0x19f: {  	_ =	sdelay $0x3  }
0x1a0: {  	[tilespmem:v3+s10+$0x0] =	vst.idx.add.f32.msk $0xffff, v11  }
0x1a1: {  	[tilespmem:v1+s9+$0x0] =	vst.idx.add.f32.msk $0xffff, v12  }
0x1a2: {  	v60 =	vmul.f32 v14, v7;
	v5 =	vld.idx.msk [tilespmem:v5+s24+$0x0], $0xffff  }
0x1a3: {  	[tilespmem:v1+s10+$0x0] =	vst.idx.add.f32.msk $0xffff, v10  }
0x1a4: {  	v61 =	vmul.f32 v13, v7;
	[tilespmem:v8+s9+$0x0] =	vst.idx.add.f32.msk $0xffff, v60  }
0x1a5: {  	v2 =	vld.idx.msk [tilespmem:v2+s24+$0x0], $0xffff  }
0x1a6: {  	[tilespmem:v8+s10+$0x0] =	vst.idx.add.f32.msk $0xffff, v61  }
0x1a7: {  	v4 =	vld.idx.msk [tilespmem:v4+s24+$0x0], $0xffff  }
0x1a8: {  	v62 =	vshll.u32 v5, $0x10  }
0x1a9: {  	v5 =	vand.u32 $0xFFFF0000, v5;
	v10 =	vmul.f32 v62, v9  }
0x1aa: {  	v5 =	vmul.f32 v5, v9;
	v63 =	vshll.u32 v2, $0x10  }
0x1ab: {  	v2 =	vand.u32 $0xFFFF0000, v2;
	v9 =	vmul.f32 v63, v6;
	[tilespmem:v3+s11+$0x0] =	vst.idx.add.f32.msk $0xffff, v10  }
.Ltmp5:
0x1ac: {  	v2 =	vmul.f32 v2, v6;
	[tilespmem:v3+s12+$0x0] =	vst.idx.add.f32.msk $0xffff, v5;
	v3 =	vshll.u32 v4, $0x10;
	(pc) =	sbr.rel @p0 .LBB2_10-.Ltmp5, $4  }
0x1ad: {  	v4 =	vand.u32 $0xFFFF0000, v4;
	v3 =	vmul.f32 v3, v7;
	[tilespmem:v1+s11+$0x0] =	vst.idx.add.f32.msk $0xffff, v9  }
0x1ae: {  	v4 =	vmul.f32 v4, v7;
	[tilespmem:v1+s12+$0x0] =	vst.idx.add.f32.msk $0xffff, v2  }
0x1af: {  	[tilespmem:v8+s11+$0x0] =	vst.idx.add.f32.msk $0xffff, v3  }
0x1b0: {  	[tilespmem:v8+s12+$0x0] =	vst.idx.add.f32.msk $0xffff, v4  }
0x1b1: {  	s18 =	smul.u32 $0xC80, s17;
	_ =	sdelay $0x1  }
0x1b2: {  	s18 =	sadd.s32 s18, s14  }
.Ltmp6:
0x1b3: {  	s18 =	sshrl.u32 s18, $0x3;
	(pc) =	sbr.rel .LBB2_4-.Ltmp6, $4  }
0x1b4: {  	s19 =	sadd.s32 s4, s18  }
0x1b5: {  	[tilespmem:s26], [sflag:$0x2] =	stream.linear.gather [hbm4b:s19+s2], $0x640, $0x38;
	[tilespmem:$0x1F400] =	vst v63  }
0x1b6: {  	s17 =	sadd.s32 $0x1, s17;
	s18 =	sadd.s32 s1, s18  }
0x1b7: {  	[tilespmem:s28], [sflag:$0x2] =	stream.linear.gather [hbm4b:s18+s2], $0x640, $0x38;
	[tilespmem:$0x1F400] =	vst v63  }
.LBB2_11:
0x1b8: {  	_ =	sfence.sel $0x180000  }
0x1b9: {  	[bflag:$0x0] =	sbarrier.arrive $0xFFFF  }
0x1ba: {  	_ =	strace $0x90000047  }
0x1bb: {  	s0 =	stileid.u32;
	[bflag:$0x2] =	sbarrier.arrive $0xFFFF  }
0x1bc: {  	p0 =	sne.s32 s0, $0x0;
	s0 =	rddreg [dreg:$0x3]  }
0x1bd: {  	s0 =	sadd.s32 @!p0 $0x100000, s0  }
0x1be: {  	[sflag:s0] =	ssyncadd.tile.s32 @!p0 $0x1;
	_ =	shalt  }
.Lfunc_end2:
_tile_overlayer_lowered:
.L_overlay_start_2:
0x1bf: {  	(tag) =	ssettag $0x2  }
0x1c0: {  	s0 =	rddreg [dreg:$0x0];
	s2 =	stileid.u32  }
0x1c1: {  	s1 =	rddreg [dreg:$0x1];
	p0 =	sne.s32 s2, $0x0  }
0x1c2: {  	s3 =	rddreg [dreg:$0x2];
	[bflag:$0x3] =	sbarrier.arrive $0xFFFF;
	s2 =	simm.s32 @!p0 $0x1C03  }
0x1c3: {  	[timem:s3], [sflag:s2] =	dma.local @!p0 [hbm:s0], s1  }
0x1c4: {  	s0 =	simm.s32 @!p0 $0x3  }
0x1c5: {  	_ =	swait.ge @!p0 [sflag:s0], s1  }
0x1c6: {  	s1 =	ssub.s32 @!p0 $0x0, s1;
	[sflag:s0] =	ssyncset.done @!p0 $0x0  }
0x1c7: {  	[sflag:s0] =	ssyncadd.s32 @!p0 s1  }
0x1c8: {  	[bflag:$0x3] =	sbarrier.arrive $0xFFFF  }
0x1c9: {  	_ =	shalt  }

</sc_bundles>
